<compile_context>
chip_gen: v7x
topology: tpu7x:2x2x1
jax: 0.10.2.dev20260603
libtpu: 0.0.44.dev20260713+nightly
codegen_flags: <defaults>
</compile_context>

<pallas_src>
import functools
import jax
import jax.numpy as jnp
from jax import lax
from jax.experimental import pallas as pl
from jax.experimental.pallas import tpu as pltpu
from jax.experimental.pallas import tpu_sc as plsc

B, S, H = 4, 8192, 1024
N = B * S
NC, NS = 2, 16
NW = NC * NS
ROWS_PER_W = N // NW
R = 8
NCHUNK = ROWS_PER_W // R
NBUF = 3
MAIN = (NCHUNK - 2) // NBUF
LANES = 16
SLICES = H // LANES


def _make_kernel():
  mesh = plsc.VectorSubcoreMesh(core_axis_name="c", subcore_axis_name="s")

  @functools.partial(
      pl.kernel,
      out_type=jax.ShapeDtypeStruct((N, H), jnp.float32),
      mesh=mesh,
      scratch_types=[
          pltpu.VMEM((3, ROWS_PER_W), jnp.int32),
      ]
      + [pltpu.VMEM((R, H), jnp.float32) for _ in range(4 * NBUF)]
      + [pltpu.SemaphoreType.DMA] * (2 * NBUF),
  )
  def emb_kernel(x_hbm, ids_hbm, wx_hbm, wy_hbm, wt_hbm, out_hbm,
                 idx_v, *bufs_and_sems):
    xb = bufs_and_sems[0 * NBUF:1 * NBUF]
    bx = bufs_and_sems[1 * NBUF:2 * NBUF]
    by = bufs_and_sems[2 * NBUF:3 * NBUF]
    bt = bufs_and_sems[3 * NBUF:4 * NBUF]
    sg = bufs_and_sems[4 * NBUF:5 * NBUF]
    so = bufs_and_sems[5 * NBUF:6 * NBUF]

    wid = lax.axis_index("s") * NC + lax.axis_index("c")
    row0 = wid * ROWS_PER_W
    pltpu.sync_copy(ids_hbm.at[wid], idx_v)

    def gather_copies(c, p):
      base = row0 + c * R
      isl = pl.ds(c * R, R)
      return (
          pltpu.make_async_copy(x_hbm.at[pl.ds(base, R)], xb[p], sg[p]),
          pltpu.make_async_copy(wx_hbm.at[idx_v.at[0, isl]], bx[p], sg[p]),
          pltpu.make_async_copy(wy_hbm.at[idx_v.at[1, isl]], by[p], sg[p]),
          pltpu.make_async_copy(wt_hbm.at[idx_v.at[2, isl]], bt[p], sg[p]),
      )

    def out_copy(c, p):
      return pltpu.make_async_copy(xb[p], out_hbm.at[pl.ds(row0 + c * R, R)],
                                   so[p])

    def compute(c, p):
      for cp in gather_copies(c, p):
        cp.wait()

      def add_body(j, _):
        sl = pl.ds(j * LANES, LANES)
        for r in range(R):
          plsc.addupdate(xb[p].at[r, sl],
                         bx[p][r, sl] + by[p][r, sl] + bt[p][r, sl])
        return 0

      lax.fori_loop(0, SLICES, add_body, 0, unroll=False)
      out_copy(c, p).start()

    for c0 in (0, 1):
      for cp in gather_copies(c0, c0):
        cp.start()

    def body(g, _):
      for b in range(NBUF):
        c = NBUF * g + b
        pnext = (b + 2) % NBUF
        if b == 0:
          @pl.when(g > 0)
          def _():
            out_copy(c - 1, pnext).wait()
        else:
          out_copy(c - 1, pnext).wait()
        for cp in gather_copies(c + 2, pnext):
          cp.start()

        compute(c, b)
      return 0

    lax.fori_loop(0, MAIN, body, 0, unroll=False)

    compute(NCHUNK - 2, (NCHUNK - 2) % NBUF)
    compute(NCHUNK - 1, (NCHUNK - 1) % NBUF)
    for c in (NCHUNK - 3, NCHUNK - 2, NCHUNK - 1):
      out_copy(c, c % NBUF).wait()

  return emb_kernel


_EMB_KERNEL = _make_kernel()


def kernel(x, position_ids, Wx, Wy, Wt):
  xr = x.reshape(N, H)
  ids = position_ids.astype(jnp.int32).reshape(N, 3)
  ids3 = ids.reshape(NW, ROWS_PER_W, 3).transpose(0, 2, 1)
  out = _EMB_KERNEL(xr, ids3, Wx, Wy, Wt)
  return out.reshape(B, S, H)

# --- scband reference (transcript-rebuilt; emitter-appended) ---
"""Pipeline reference for scband-positional-embeddings-3246995276203 (READ-ONLY COPY).

The authoritative reference and input builder live on the scoring server;
editing this copy changes nothing except your own understanding.
"""

import jax, jax.numpy as jnp
import numpy as np
import math

HIDDEN = 1024
MAX_X, MAX_Y, MAX_T = 512, 512, 8192
B, S = 4, 8192

def setup_inputs(seed: int = 0) -> dict:
    key = jax.random.key(seed)
    kx, kpid, kwx, kwy, kwt = jax.random.split(key, 5)
    std = 1.0 / math.sqrt(HIDDEN)
    x = jax.random.normal(kx, (B, S, HIDDEN), dtype=jnp.float32)
    position_ids = jax.random.randint(kpid, (B, S, 3), 0, 512, dtype=jnp.int64 if jax.config.jax_enable_x64 else jnp.int32)
    Wx = jax.random.normal(kwx, (MAX_X, HIDDEN), dtype=jnp.float32) * std
    Wy = jax.random.normal(kwy, (MAX_Y, HIDDEN), dtype=jnp.float32) * std
    Wt = jax.random.normal(kwt, (MAX_T, HIDDEN), dtype=jnp.float32) * std
    return {"x": x, "position_ids": position_ids, "Wx": Wx, "Wy": Wy, "Wt": Wt}

def reference(x, position_ids, Wx, Wy, Wt):
    x_emb = jnp.take(Wx, position_ids[..., 0], axis=0)
    y_emb = jnp.take(Wy, position_ids[..., 1], axis=0)
    t_emb = jnp.take(Wt, position_ids[..., 2], axis=0)
    return x + (x_emb + y_emb + t_emb)

if __name__ == "__main__":
    import jax
    _d = setup_inputs()
    print(jax.jit(kernel)(*tuple(_d.values())))

</pallas_src>

<mosaic_0001>
#map = affine_map<(d0, d1) -> (0, 0)>
#map1 = affine_map<(d0, d1) -> (0, 0, 0)>
module attributes {stable_mosaic.version = 14 : i64} {
  func.func @emb_kernel(%arg0: i32, %arg1: i32, %arg2: memref<32768x1024xf32, #tpu.memory_space<hbm>>, %arg3: memref<32x3x1024xi32, #tpu.memory_space<hbm>>, %arg4: memref<512x1024xf32, #tpu.memory_space<hbm>>, %arg5: memref<512x1024xf32, #tpu.memory_space<hbm>>, %arg6: memref<8192x1024xf32, #tpu.memory_space<hbm>>, %arg7: memref<32768x1024xf32, #tpu.memory_space<hbm>>, %arg8: memref<3x1024xi32, #tpu.memory_space<vmem>>, %arg9: memref<8x1024xf32, #tpu.memory_space<vmem>>, %arg10: memref<8x1024xf32, #tpu.memory_space<vmem>>, %arg11: memref<8x1024xf32, #tpu.memory_space<vmem>>, %arg12: memref<8x1024xf32, #tpu.memory_space<vmem>>, %arg13: memref<8x1024xf32, #tpu.memory_space<vmem>>, %arg14: memref<8x1024xf32, #tpu.memory_space<vmem>>, %arg15: memref<8x1024xf32, #tpu.memory_space<vmem>>, %arg16: memref<8x1024xf32, #tpu.memory_space<vmem>>, %arg17: memref<8x1024xf32, #tpu.memory_space<vmem>>, %arg18: memref<8x1024xf32, #tpu.memory_space<vmem>>, %arg19: memref<8x1024xf32, #tpu.memory_space<vmem>>, %arg20: memref<8x1024xf32, #tpu.memory_space<vmem>>, %arg21: memref<!tpu.dma_semaphore, #tpu.memory_space<semaphore_mem>>, %arg22: memref<!tpu.dma_semaphore, #tpu.memory_space<semaphore_mem>>, %arg23: memref<!tpu.dma_semaphore, #tpu.memory_space<semaphore_mem>>, %arg24: memref<!tpu.dma_semaphore, #tpu.memory_space<semaphore_mem>>, %arg25: memref<!tpu.dma_semaphore, #tpu.memory_space<semaphore_mem>>, %arg26: memref<!tpu.dma_semaphore, #tpu.memory_space<semaphore_mem>>) attributes {dimension_semantics = [#tpu.dimension_semantics<core_parallel>, #tpu.dimension_semantics<subcore_parallel>], iteration_bounds = array<i64: 2, 16>, scalar_prefetch = 0 : i64, scratch_operands = 19 : i64, tpu.core_type = #tpu.core_type<sc_vector_subcore>, window_params = [{transform_indices = #map}, {transform_indices = #map1}, {transform_indices = #map}, {transform_indices = #map}, {transform_indices = #map}, {transform_indices = #map}]} {
    %mul3A = arith.constant 2 : i32
    %mul3A_0 = arith.muli %arg1, %mul3A : i32
    %add3A = arith.addi %mul3A_0, %arg0 : i32
    %mul3A_1 = arith.constant 1024 : i32
    %mul3A_2 = arith.muli %add3A, %mul3A_1 : i32
    "tpu.region"() ({
      %run_scoped3A = tpu.sem_alloc : memref<!tpu.dma_semaphore, #tpu.memory_space<semaphore_mem>>
      %dma_start3A_159 = arith.constant 0 : i32
      %dma_start3A_160 = arith.constant 0 : i32
      %dma_start3A_161 = tpu.memref_slice %arg3[%add3A, %dma_start3A_159, %dma_start3A_160] : memref<32x3x1024xi32, #tpu.memory_space<hbm>> -> memref<1x3x1024xi32, #tpu.memory_space<hbm>>
      %dma_start3A_162 = tpu.memref_squeeze %dma_start3A_161 : memref<1x3x1024xi32, #tpu.memory_space<hbm>> -> memref<3x1024xi32, #tpu.memory_space<hbm>>
      %dma_start3A_163 = arith.constant 0 : i32
      %dma_start3A_164 = arith.constant 0 : i32
      %dma_start3A_165 = tpu.memref_slice %arg3[%add3A, %dma_start3A_163, %dma_start3A_164] : memref<32x3x1024xi32, #tpu.memory_space<hbm>> -> memref<1x3x1024xi32, #tpu.memory_space<hbm>>
      %dma_start3A_166 = tpu.memref_squeeze %dma_start3A_165 : memref<1x3x1024xi32, #tpu.memory_space<hbm>> -> memref<3x1024xi32, #tpu.memory_space<hbm>>
      tpu.enqueue_dma source(%dma_start3A_166 : memref<3x1024xi32, #tpu.memory_space<hbm>>) target(%arg8 : memref<3x1024xi32, #tpu.memory_space<vmem>>) target_semaphore(%run_scoped3A : memref<!tpu.dma_semaphore, #tpu.memory_space<semaphore_mem>>)
      %dma_wait3A_167 = arith.constant 0 : i32
      %dma_wait3A_168 = arith.constant 0 : i32
      %dma_wait3A_169 = tpu.memref_slice %arg3[%add3A, %dma_wait3A_167, %dma_wait3A_168] : memref<32x3x1024xi32, #tpu.memory_space<hbm>> -> memref<1x3x1024xi32, #tpu.memory_space<hbm>>
      %dma_wait3A_170 = tpu.memref_squeeze %dma_wait3A_169 : memref<1x3x1024xi32, #tpu.memory_space<hbm>> -> memref<3x1024xi32, #tpu.memory_space<hbm>>
      %dma_wait3A_171 = arith.constant 0 : i32
      %dma_wait3A_172 = arith.constant 0 : i32
      %dma_wait3A_173 = tpu.memref_slice %arg3[%add3A, %dma_wait3A_171, %dma_wait3A_172] : memref<32x3x1024xi32, #tpu.memory_space<hbm>> -> memref<1x3x1024xi32, #tpu.memory_space<hbm>>
      %dma_wait3A_174 = tpu.memref_squeeze %dma_wait3A_173 : memref<1x3x1024xi32, #tpu.memory_space<hbm>> -> memref<3x1024xi32, #tpu.memory_space<hbm>>
      tpu.wait_dma2 semaphore(%run_scoped3A : memref<!tpu.dma_semaphore, #tpu.memory_space<semaphore_mem>>) src(%dma_wait3A_174 : memref<3x1024xi32, #tpu.memory_space<hbm>>) dst(%arg8 : memref<3x1024xi32, #tpu.memory_space<vmem>>)
      tpu.yield
    }) : () -> ()
    %add3A_3 = arith.constant 0 : i32
    %add3A_4 = arith.addi %mul3A_2, %add3A_3 : i32
    %dma_start3A = arith.constant 0 : i32
    %dma_start3A_5 = tpu.memref_slice %arg2[%add3A_4, %dma_start3A] : memref<32768x1024xf32, #tpu.memory_space<hbm>> -> memref<8x1024xf32, #tpu.memory_space<hbm>>
    %dma_start3A_6 = arith.constant 0 : i32
    %dma_start3A_7 = tpu.memref_slice %arg2[%add3A_4, %dma_start3A_6] : memref<32768x1024xf32, #tpu.memory_space<hbm>> -> memref<8x1024xf32, #tpu.memory_space<hbm>>
    tpu.enqueue_dma source(%dma_start3A_7 : memref<8x1024xf32, #tpu.memory_space<hbm>>) target(%arg9 : memref<8x1024xf32, #tpu.memory_space<vmem>>) target_semaphore(%arg21 : memref<!tpu.dma_semaphore, #tpu.memory_space<semaphore_mem>>)
    %dma_start3A_8 = arith.constant 0 : i32
    %dma_start3A_9 = arith.constant 0 : i32
    %dma_start3A_10 = tpu.memref_slice %arg8[%dma_start3A_8, %dma_start3A_9] : memref<3x1024xi32, #tpu.memory_space<vmem>> -> memref<1x8xi32, #tpu.memory_space<vmem>>
    %dma_start3A_11 = tpu.memref_squeeze %dma_start3A_10 : memref<1x8xi32, #tpu.memory_space<vmem>> -> memref<8xi32, #tpu.memory_space<vmem>>
    %dma_start3A_12 = arith.constant 0 : i32
    %dma_start3A_13 = arith.constant 0 : i32
    %dma_start3A_14 = tpu.memref_slice %arg4[%dma_start3A_12, %dma_start3A_13] : memref<512x1024xf32, #tpu.memory_space<hbm>> -> memref<512x1024xf32, #tpu.memory_space<hbm>>
    tpu.enqueue_indirect_dma source(%dma_start3A_14 : memref<512x1024xf32, #tpu.memory_space<hbm>>) target(%arg12 : memref<8x1024xf32, #tpu.memory_space<vmem>>) offsets(%dma_start3A_11 : memref<8xi32, #tpu.memory_space<vmem>>) semaphore(%arg21 : memref<!tpu.dma_semaphore, #tpu.memory_space<semaphore_mem>>)
    %dma_start3A_15 = arith.constant 1 : i32
    %dma_start3A_16 = arith.constant 0 : i32
    %dma_start3A_17 = tpu.memref_slice %arg8[%dma_start3A_15, %dma_start3A_16] : memref<3x1024xi32, #tpu.memory_space<vmem>> -> memref<1x8xi32, #tpu.memory_space<vmem>>
    %dma_start3A_18 = tpu.memref_squeeze %dma_start3A_17 : memref<1x8xi32, #tpu.memory_space<vmem>> -> memref<8xi32, #tpu.memory_space<vmem>>
    %dma_start3A_19 = arith.constant 0 : i32
    %dma_start3A_20 = arith.constant 0 : i32
    %dma_start3A_21 = tpu.memref_slice %arg5[%dma_start3A_19, %dma_start3A_20] : memref<512x1024xf32, #tpu.memory_space<hbm>> -> memref<512x1024xf32, #tpu.memory_space<hbm>>
    tpu.enqueue_indirect_dma source(%dma_start3A_21 : memref<512x1024xf32, #tpu.memory_space<hbm>>) target(%arg15 : memref<8x1024xf32, #tpu.memory_space<vmem>>) offsets(%dma_start3A_18 : memref<8xi32, #tpu.memory_space<vmem>>) semaphore(%arg21 : memref<!tpu.dma_semaphore, #tpu.memory_space<semaphore_mem>>)
    %dma_start3A_22 = arith.constant 2 : i32
    %dma_start3A_23 = arith.constant 0 : i32
    %dma_start3A_24 = tpu.memref_slice %arg8[%dma_start3A_22, %dma_start3A_23] : memref<3x1024xi32, #tpu.memory_space<vmem>> -> memref<1x8xi32, #tpu.memory_space<vmem>>
    %dma_start3A_25 = tpu.memref_squeeze %dma_start3A_24 : memref<1x8xi32, #tpu.memory_space<vmem>> -> memref<8xi32, #tpu.memory_space<vmem>>
    %dma_start3A_26 = arith.constant 0 : i32
    %dma_start3A_27 = arith.constant 0 : i32
    %dma_start3A_28 = tpu.memref_slice %arg6[%dma_start3A_26, %dma_start3A_27] : memref<8192x1024xf32, #tpu.memory_space<hbm>> -> memref<8192x1024xf32, #tpu.memory_space<hbm>>
    tpu.enqueue_indirect_dma source(%dma_start3A_28 : memref<8192x1024xf32, #tpu.memory_space<hbm>>) target(%arg18 : memref<8x1024xf32, #tpu.memory_space<vmem>>) offsets(%dma_start3A_25 : memref<8xi32, #tpu.memory_space<vmem>>) semaphore(%arg21 : memref<!tpu.dma_semaphore, #tpu.memory_space<semaphore_mem>>)
    %add3A_29 = arith.constant 8 : i32
    %add3A_30 = arith.addi %mul3A_2, %add3A_29 : i32
    %dma_start3A_31 = arith.constant 0 : i32
    %dma_start3A_32 = tpu.memref_slice %arg2[%add3A_30, %dma_start3A_31] : memref<32768x1024xf32, #tpu.memory_space<hbm>> -> memref<8x1024xf32, #tpu.memory_space<hbm>>
    %dma_start3A_33 = arith.constant 0 : i32
    %dma_start3A_34 = tpu.memref_slice %arg2[%add3A_30, %dma_start3A_33] : memref<32768x1024xf32, #tpu.memory_space<hbm>> -> memref<8x1024xf32, #tpu.memory_space<hbm>>
    tpu.enqueue_dma source(%dma_start3A_34 : memref<8x1024xf32, #tpu.memory_space<hbm>>) target(%arg10 : memref<8x1024xf32, #tpu.memory_space<vmem>>) target_semaphore(%arg22 : memref<!tpu.dma_semaphore, #tpu.memory_space<semaphore_mem>>)
    %dma_start3A_35 = arith.constant 0 : i32
    %dma_start3A_36 = arith.constant 8 : i32
    %dma_start3A_37 = tpu.memref_slice %arg8[%dma_start3A_35, %dma_start3A_36] : memref<3x1024xi32, #tpu.memory_space<vmem>> -> memref<1x8xi32, #tpu.memory_space<vmem>>
    %dma_start3A_38 = tpu.memref_squeeze %dma_start3A_37 : memref<1x8xi32, #tpu.memory_space<vmem>> -> memref<8xi32, #tpu.memory_space<vmem>>
    %dma_start3A_39 = arith.constant 0 : i32
    %dma_start3A_40 = arith.constant 0 : i32
    %dma_start3A_41 = tpu.memref_slice %arg4[%dma_start3A_39, %dma_start3A_40] : memref<512x1024xf32, #tpu.memory_space<hbm>> -> memref<512x1024xf32, #tpu.memory_space<hbm>>
    tpu.enqueue_indirect_dma source(%dma_start3A_41 : memref<512x1024xf32, #tpu.memory_space<hbm>>) target(%arg13 : memref<8x1024xf32, #tpu.memory_space<vmem>>) offsets(%dma_start3A_38 : memref<8xi32, #tpu.memory_space<vmem>>) semaphore(%arg22 : memref<!tpu.dma_semaphore, #tpu.memory_space<semaphore_mem>>)
    %dma_start3A_42 = arith.constant 1 : i32
    %dma_start3A_43 = arith.constant 8 : i32
    %dma_start3A_44 = tpu.memref_slice %arg8[%dma_start3A_42, %dma_start3A_43] : memref<3x1024xi32, #tpu.memory_space<vmem>> -> memref<1x8xi32, #tpu.memory_space<vmem>>
    %dma_start3A_45 = tpu.memref_squeeze %dma_start3A_44 : memref<1x8xi32, #tpu.memory_space<vmem>> -> memref<8xi32, #tpu.memory_space<vmem>>
    %dma_start3A_46 = arith.constant 0 : i32
    %dma_start3A_47 = arith.constant 0 : i32
    %dma_start3A_48 = tpu.memref_slice %arg5[%dma_start3A_46, %dma_start3A_47] : memref<512x1024xf32, #tpu.memory_space<hbm>> -> memref<512x1024xf32, #tpu.memory_space<hbm>>
    tpu.enqueue_indirect_dma source(%dma_start3A_48 : memref<512x1024xf32, #tpu.memory_space<hbm>>) target(%arg16 : memref<8x1024xf32, #tpu.memory_space<vmem>>) offsets(%dma_start3A_45 : memref<8xi32, #tpu.memory_space<vmem>>) semaphore(%arg22 : memref<!tpu.dma_semaphore, #tpu.memory_space<semaphore_mem>>)
    %dma_start3A_49 = arith.constant 2 : i32
    %dma_start3A_50 = arith.constant 8 : i32
    %dma_start3A_51 = tpu.memref_slice %arg8[%dma_start3A_49, %dma_start3A_50] : memref<3x1024xi32, #tpu.memory_space<vmem>> -> memref<1x8xi32, #tpu.memory_space<vmem>>
    %dma_start3A_52 = tpu.memref_squeeze %dma_start3A_51 : memref<1x8xi32, #tpu.memory_space<vmem>> -> memref<8xi32, #tpu.memory_space<vmem>>
    %dma_start3A_53 = arith.constant 0 : i32
    %dma_start3A_54 = arith.constant 0 : i32
    %dma_start3A_55 = tpu.memref_slice %arg6[%dma_start3A_53, %dma_start3A_54] : memref<8192x1024xf32, #tpu.memory_space<hbm>> -> memref<8192x1024xf32, #tpu.memory_space<hbm>>
    tpu.enqueue_indirect_dma source(%dma_start3A_55 : memref<8192x1024xf32, #tpu.memory_space<hbm>>) target(%arg19 : memref<8x1024xf32, #tpu.memory_space<vmem>>) offsets(%dma_start3A_52 : memref<8xi32, #tpu.memory_space<vmem>>) semaphore(%arg22 : memref<!tpu.dma_semaphore, #tpu.memory_space<semaphore_mem>>)
    %scan3A = arith.constant 0 : i32
    %scan3A_56 = arith.constant 0 : i32
    %scan3A_57 = arith.constant 42 : i32
    %scan3A_58 = arith.addi %scan3A_56, %scan3A_57 : i32
    %scan3A_59 = arith.constant 1 : i32
    %scan3A_60 = scf.for %scan3A_159 = %scan3A_56 to %scan3A_58 step %scan3A_59 iter_args(%scan3A_160 = %scan3A) -> (i32)  : i32 {
      %mul3A_161 = arith.constant 3 : i32
      %mul3A_162 = arith.muli %mul3A_161, %scan3A_159 : i32
      %add3A_163 = arith.constant 0 : i32
      %add3A_164 = arith.addi %mul3A_162, %add3A_163 : i32
      %gt3A = arith.constant 0 : i32
      %gt3A_165 = arith.cmpi sgt, %scan3A_159, %gt3A : i32
      %convert_element_type3A = arith.extui %gt3A_165 : i1 to i32
      %cond3A = arith.constant 0 : i32
      %cond3A_166 = arith.cmpi ne, %convert_element_type3A, %cond3A : i32
      scf.if %cond3A_166 {
        %sub3A_403 = arith.constant 1 : i32
        %sub3A_404 = arith.subi %add3A_164, %sub3A_403 : i32
        %mul3A_405 = arith.constant 8 : i32
        %mul3A_406 = arith.muli %sub3A_404, %mul3A_405 : i32
        %add3A_407 = arith.addi %mul3A_2, %mul3A_406 : i32
        %dma_wait3A_408 = arith.constant 0 : i32
        %dma_wait3A_409 = tpu.memref_slice %arg7[%add3A_407, %dma_wait3A_408] : memref<32768x1024xf32, #tpu.memory_space<hbm>> -> memref<8x1024xf32, #tpu.memory_space<hbm>>
        %dma_wait3A_410 = arith.constant 0 : i32
        %dma_wait3A_411 = tpu.memref_slice %arg7[%add3A_407, %dma_wait3A_410] : memref<32768x1024xf32, #tpu.memory_space<hbm>> -> memref<8x1024xf32, #tpu.memory_space<hbm>>
        tpu.wait_dma2 semaphore(%arg26 : memref<!tpu.dma_semaphore, #tpu.memory_space<semaphore_mem>>) src(%arg11 : memref<8x1024xf32, #tpu.memory_space<vmem>>) dst(%dma_wait3A_411 : memref<8x1024xf32, #tpu.memory_space<hbm>>)
      } else {
      }
      %add3A_167 = arith.constant 2 : i32
      %add3A_168 = arith.addi %add3A_164, %add3A_167 : i32
      %mul3A_169 = arith.constant 8 : i32
      %mul3A_170 = arith.muli %add3A_168, %mul3A_169 : i32
      %add3A_171 = arith.addi %mul3A_2, %mul3A_170 : i32
      %mul3A_172 = arith.constant 8 : i32
      %mul3A_173 = arith.muli %add3A_168, %mul3A_172 : i32
      %dma_start3A_174 = arith.constant 0 : i32
      %dma_start3A_175 = tpu.memref_slice %arg2[%add3A_171, %dma_start3A_174] : memref<32768x1024xf32, #tpu.memory_space<hbm>> -> memref<8x1024xf32, #tpu.memory_space<hbm>>
      %dma_start3A_176 = arith.constant 0 : i32
      %dma_start3A_177 = tpu.memref_slice %arg2[%add3A_171, %dma_start3A_176] : memref<32768x1024xf32, #tpu.memory_space<hbm>> -> memref<8x1024xf32, #tpu.memory_space<hbm>>
      tpu.enqueue_dma source(%dma_start3A_177 : memref<8x1024xf32, #tpu.memory_space<hbm>>) target(%arg11 : memref<8x1024xf32, #tpu.memory_space<vmem>>) target_semaphore(%arg23 : memref<!tpu.dma_semaphore, #tpu.memory_space<semaphore_mem>>)
      %dma_start3A_178 = arith.constant 0 : i32
      %dma_start3A_179 = tpu.memref_slice %arg8[%dma_start3A_178, %mul3A_173] : memref<3x1024xi32, #tpu.memory_space<vmem>> -> memref<1x8xi32, #tpu.memory_space<vmem>>
      %dma_start3A_180 = tpu.memref_squeeze %dma_start3A_179 : memref<1x8xi32, #tpu.memory_space<vmem>> -> memref<8xi32, #tpu.memory_space<vmem>>
      %dma_start3A_181 = arith.constant 0 : i32
      %dma_start3A_182 = arith.constant 0 : i32
      %dma_start3A_183 = tpu.memref_slice %arg4[%dma_start3A_181, %dma_start3A_182] : memref<512x1024xf32, #tpu.memory_space<hbm>> -> memref<512x1024xf32, #tpu.memory_space<hbm>>
      tpu.enqueue_indirect_dma source(%dma_start3A_183 : memref<512x1024xf32, #tpu.memory_space<hbm>>) target(%arg14 : memref<8x1024xf32, #tpu.memory_space<vmem>>) offsets(%dma_start3A_180 : memref<8xi32, #tpu.memory_space<vmem>>) semaphore(%arg23 : memref<!tpu.dma_semaphore, #tpu.memory_space<semaphore_mem>>)
      %dma_start3A_184 = arith.constant 1 : i32
      %dma_start3A_185 = tpu.memref_slice %arg8[%dma_start3A_184, %mul3A_173] : memref<3x1024xi32, #tpu.memory_space<vmem>> -> memref<1x8xi32, #tpu.memory_space<vmem>>
      %dma_start3A_186 = tpu.memref_squeeze %dma_start3A_185 : memref<1x8xi32, #tpu.memory_space<vmem>> -> memref<8xi32, #tpu.memory_space<vmem>>
      %dma_start3A_187 = arith.constant 0 : i32
      %dma_start3A_188 = arith.constant 0 : i32
      %dma_start3A_189 = tpu.memref_slice %arg5[%dma_start3A_187, %dma_start3A_188] : memref<512x1024xf32, #tpu.memory_space<hbm>> -> memref<512x1024xf32, #tpu.memory_space<hbm>>
      tpu.enqueue_indirect_dma source(%dma_start3A_189 : memref<512x1024xf32, #tpu.memory_space<hbm>>) target(%arg17 : memref<8x1024xf32, #tpu.memory_space<vmem>>) offsets(%dma_start3A_186 : memref<8xi32, #tpu.memory_space<vmem>>) semaphore(%arg23 : memref<!tpu.dma_semaphore, #tpu.memory_space<semaphore_mem>>)
      %dma_start3A_190 = arith.constant 2 : i32
      %dma_start3A_191 = tpu.memref_slice %arg8[%dma_start3A_190, %mul3A_173] : memref<3x1024xi32, #tpu.memory_space<vmem>> -> memref<1x8xi32, #tpu.memory_space<vmem>>
      %dma_start3A_192 = tpu.memref_squeeze %dma_start3A_191 : memref<1x8xi32, #tpu.memory_space<vmem>> -> memref<8xi32, #tpu.memory_space<vmem>>
      %dma_start3A_193 = arith.constant 0 : i32
      %dma_start3A_194 = arith.constant 0 : i32
      %dma_start3A_195 = tpu.memref_slice %arg6[%dma_start3A_193, %dma_start3A_194] : memref<8192x1024xf32, #tpu.memory_space<hbm>> -> memref<8192x1024xf32, #tpu.memory_space<hbm>>
      tpu.enqueue_indirect_dma source(%dma_start3A_195 : memref<8192x1024xf32, #tpu.memory_space<hbm>>) target(%arg20 : memref<8x1024xf32, #tpu.memory_space<vmem>>) offsets(%dma_start3A_192 : memref<8xi32, #tpu.memory_space<vmem>>) semaphore(%arg23 : memref<!tpu.dma_semaphore, #tpu.memory_space<semaphore_mem>>)
      %mul3A_196 = arith.constant 8 : i32
      %mul3A_197 = arith.muli %add3A_164, %mul3A_196 : i32
      %add3A_198 = arith.addi %mul3A_2, %mul3A_197 : i32
      %mul3A_199 = arith.constant 8 : i32
      %mul3A_200 = arith.muli %add3A_164, %mul3A_199 : i32
      %dma_wait3A_201 = arith.constant 0 : i32
      %dma_wait3A_202 = tpu.memref_slice %arg2[%add3A_198, %dma_wait3A_201] : memref<32768x1024xf32, #tpu.memory_space<hbm>> -> memref<8x1024xf32, #tpu.memory_space<hbm>>
      %dma_wait3A_203 = arith.constant 0 : i32
      %dma_wait3A_204 = tpu.memref_slice %arg2[%add3A_198, %dma_wait3A_203] : memref<32768x1024xf32, #tpu.memory_space<hbm>> -> memref<8x1024xf32, #tpu.memory_space<hbm>>
      tpu.wait_dma2 semaphore(%arg21 : memref<!tpu.dma_semaphore, #tpu.memory_space<semaphore_mem>>) src(%dma_wait3A_204 : memref<8x1024xf32, #tpu.memory_space<hbm>>) dst(%arg9 : memref<8x1024xf32, #tpu.memory_space<vmem>>)
      %dma_wait3A_205 = arith.constant 0 : i32
      %dma_wait3A_206 = tpu.memref_slice %arg8[%dma_wait3A_205, %mul3A_200] : memref<3x1024xi32, #tpu.memory_space<vmem>> -> memref<1x8xi32, #tpu.memory_space<vmem>>
      %dma_wait3A_207 = tpu.memref_squeeze %dma_wait3A_206 : memref<1x8xi32, #tpu.memory_space<vmem>> -> memref<8xi32, #tpu.memory_space<vmem>>
      %dma_wait3A_208 = arith.constant 0 : i32
      %dma_wait3A_209 = arith.constant 0 : i32
      %dma_wait3A_210 = tpu.memref_slice %arg4[%dma_wait3A_208, %dma_wait3A_209] : memref<512x1024xf32, #tpu.memory_space<hbm>> -> memref<512x1024xf32, #tpu.memory_space<hbm>>
      tpu.wait_indirect_dma semaphore(%arg21 : memref<!tpu.dma_semaphore, #tpu.memory_space<semaphore_mem>>) src(%dma_wait3A_210 : memref<512x1024xf32, #tpu.memory_space<hbm>>) dst(%arg12 : memref<8x1024xf32, #tpu.memory_space<vmem>>)
      %dma_wait3A_211 = arith.constant 1 : i32
      %dma_wait3A_212 = tpu.memref_slice %arg8[%dma_wait3A_211, %mul3A_200] : memref<3x1024xi32, #tpu.memory_space<vmem>> -> memref<1x8xi32, #tpu.memory_space<vmem>>
      %dma_wait3A_213 = tpu.memref_squeeze %dma_wait3A_212 : memref<1x8xi32, #tpu.memory_space<vmem>> -> memref<8xi32, #tpu.memory_space<vmem>>
      %dma_wait3A_214 = arith.constant 0 : i32
      %dma_wait3A_215 = arith.constant 0 : i32
      %dma_wait3A_216 = tpu.memref_slice %arg5[%dma_wait3A_214, %dma_wait3A_215] : memref<512x1024xf32, #tpu.memory_space<hbm>> -> memref<512x1024xf32, #tpu.memory_space<hbm>>
      tpu.wait_indirect_dma semaphore(%arg21 : memref<!tpu.dma_semaphore, #tpu.memory_space<semaphore_mem>>) src(%dma_wait3A_216 : memref<512x1024xf32, #tpu.memory_space<hbm>>) dst(%arg15 : memref<8x1024xf32, #tpu.memory_space<vmem>>)
      %dma_wait3A_217 = arith.constant 2 : i32
      %dma_wait3A_218 = tpu.memref_slice %arg8[%dma_wait3A_217, %mul3A_200] : memref<3x1024xi32, #tpu.memory_space<vmem>> -> memref<1x8xi32, #tpu.memory_space<vmem>>
      %dma_wait3A_219 = tpu.memref_squeeze %dma_wait3A_218 : memref<1x8xi32, #tpu.memory_space<vmem>> -> memref<8xi32, #tpu.memory_space<vmem>>
      %dma_wait3A_220 = arith.constant 0 : i32
      %dma_wait3A_221 = arith.constant 0 : i32
      %dma_wait3A_222 = tpu.memref_slice %arg6[%dma_wait3A_220, %dma_wait3A_221] : memref<8192x1024xf32, #tpu.memory_space<hbm>> -> memref<8192x1024xf32, #tpu.memory_space<hbm>>
      tpu.wait_indirect_dma semaphore(%arg21 : memref<!tpu.dma_semaphore, #tpu.memory_space<semaphore_mem>>) src(%dma_wait3A_222 : memref<8192x1024xf32, #tpu.memory_space<hbm>>) dst(%arg18 : memref<8x1024xf32, #tpu.memory_space<vmem>>)
      %scan3A_223 = arith.constant 0 : i32
      %scan3A_224 = arith.constant 0 : i32
      %scan3A_225 = arith.constant 64 : i32
      %scan3A_226 = arith.addi %scan3A_224, %scan3A_225 : i32
      %scan3A_227 = arith.constant 1 : i32
      %scan3A_228 = scf.for %scan3A_403 = %scan3A_224 to %scan3A_226 step %scan3A_227 iter_args(%scan3A_404 = %scan3A_223) -> (i32)  : i32 {
        %mul3A_405 = arith.constant 16 : i32
        %mul3A_406 = arith.muli %scan3A_403, %mul3A_405 : i32
        %get3A = arith.constant 0 : i32
        %get3A_407 = arith.index_cast %get3A : i32 to index
        %get3A_408 = arith.index_cast %mul3A_406 : i32 to index
        %get3A_409 = tpu.vector_load %arg12[%get3A_407, %get3A_408] {strides = array<i32>} : memref<8x1024xf32, #tpu.memory_space<vmem>>, vector<1x16xf32>,
        %get3A_410 = vector.shape_cast %get3A_409 : vector<1x16xf32> to vector<16xf32>
        %get3A_411 = arith.constant 0 : i32
        %get3A_412 = arith.index_cast %get3A_411 : i32 to index
        %get3A_413 = arith.index_cast %mul3A_406 : i32 to index
        %get3A_414 = tpu.vector_load %arg15[%get3A_412, %get3A_413] {strides = array<i32>} : memref<8x1024xf32, #tpu.memory_space<vmem>>, vector<1x16xf32>,
        %get3A_415 = vector.shape_cast %get3A_414 : vector<1x16xf32> to vector<16xf32>
        %add3A_416 = arith.addf %get3A_410, %get3A_415 : vector<16xf32>
        %get3A_417 = arith.constant 0 : i32
        %get3A_418 = arith.index_cast %get3A_417 : i32 to index
        %get3A_419 = arith.index_cast %mul3A_406 : i32 to index
        %get3A_420 = tpu.vector_load %arg18[%get3A_418, %get3A_419] {strides = array<i32>} : memref<8x1024xf32, #tpu.memory_space<vmem>>, vector<1x16xf32>,
        %get3A_421 = vector.shape_cast %get3A_420 : vector<1x16xf32> to vector<16xf32>
        %add3A_422 = arith.addf %add3A_416, %get3A_421 : vector<16xf32>
        %swap3A = arith.constant 0 : i32
        %swap3A_423 = arith.index_cast %swap3A : i32 to index
        %swap3A_424 = arith.index_cast %mul3A_406 : i32 to index
        %swap3A_425 = tpu.vector_load %arg9[%swap3A_423, %swap3A_424] {strides = array<i32>} : memref<8x1024xf32, #tpu.memory_space<vmem>>, vector<1x16xf32>,
        %swap3A_426 = vector.shape_cast %swap3A_425 : vector<1x16xf32> to vector<16xf32>
        %swap3A_427 = vector.shape_cast %add3A_422 : vector<16xf32> to vector<1x16xf32>
        tpu.vector_store %arg9[%swap3A_423, %swap3A_424], %swap3A_427 {add = true, strides = array<i32>} : memref<8x1024xf32, #tpu.memory_space<vmem>>, vector<1x16xf32>,
        %get3A_428 = arith.constant 1 : i32
        %get3A_429 = arith.index_cast %get3A_428 : i32 to index
        %get3A_430 = arith.index_cast %mul3A_406 : i32 to index
        %get3A_431 = tpu.vector_load %arg12[%get3A_429, %get3A_430] {strides = array<i32>} : memref<8x1024xf32, #tpu.memory_space<vmem>>, vector<1x16xf32>,
        %get3A_432 = vector.shape_cast %get3A_431 : vector<1x16xf32> to vector<16xf32>
        %get3A_433 = arith.constant 1 : i32
        %get3A_434 = arith.index_cast %get3A_433 : i32 to index
        %get3A_435 = arith.index_cast %mul3A_406 : i32 to index
        %get3A_436 = tpu.vector_load %arg15[%get3A_434, %get3A_435] {strides = array<i32>} : memref<8x1024xf32, #tpu.memory_space<vmem>>, vector<1x16xf32>,
        %get3A_437 = vector.shape_cast %get3A_436 : vector<1x16xf32> to vector<16xf32>
        %add3A_438 = arith.addf %get3A_432, %get3A_437 : vector<16xf32>
        %get3A_439 = arith.constant 1 : i32
        %get3A_440 = arith.index_cast %get3A_439 : i32 to index
        %get3A_441 = arith.index_cast %mul3A_406 : i32 to index
        %get3A_442 = tpu.vector_load %arg18[%get3A_440, %get3A_441] {strides = array<i32>} : memref<8x1024xf32, #tpu.memory_space<vmem>>, vector<1x16xf32>,
        %get3A_443 = vector.shape_cast %get3A_442 : vector<1x16xf32> to vector<16xf32>
        %add3A_444 = arith.addf %add3A_438, %get3A_443 : vector<16xf32>
        %swap3A_445 = arith.constant 1 : i32
        %swap3A_446 = arith.index_cast %swap3A_445 : i32 to index
        %swap3A_447 = arith.index_cast %mul3A_406 : i32 to index
        %swap3A_448 = tpu.vector_load %arg9[%swap3A_446, %swap3A_447] {strides = array<i32>} : memref<8x1024xf32, #tpu.memory_space<vmem>>, vector<1x16xf32>,
        %swap3A_449 = vector.shape_cast %swap3A_448 : vector<1x16xf32> to vector<16xf32>
        %swap3A_450 = vector.shape_cast %add3A_444 : vector<16xf32> to vector<1x16xf32>
        tpu.vector_store %arg9[%swap3A_446, %swap3A_447], %swap3A_450 {add = true, strides = array<i32>} : memref<8x1024xf32, #tpu.memory_space<vmem>>, vector<1x16xf32>,
        %get3A_451 = arith.constant 2 : i32
        %get3A_452 = arith.index_cast %get3A_451 : i32 to index
        %get3A_453 = arith.index_cast %mul3A_406 : i32 to index
        %get3A_454 = tpu.vector_load %arg12[%get3A_452, %get3A_453] {strides = array<i32>} : memref<8x1024xf32, #tpu.memory_space<vmem>>, vector<1x16xf32>,
        %get3A_455 = vector.shape_cast %get3A_454 : vector<1x16xf32> to vector<16xf32>
        %get3A_456 = arith.constant 2 : i32
        %get3A_457 = arith.index_cast %get3A_456 : i32 to index
        %get3A_458 = arith.index_cast %mul3A_406 : i32 to index
        %get3A_459 = tpu.vector_load %arg15[%get3A_457, %get3A_458] {strides = array<i32>} : memref<8x1024xf32, #tpu.memory_space<vmem>>, vector<1x16xf32>,
        %get3A_460 = vector.shape_cast %get3A_459 : vector<1x16xf32> to vector<16xf32>
        %add3A_461 = arith.addf %get3A_455, %get3A_460 : vector<16xf32>
        %get3A_462 = arith.constant 2 : i32
        %get3A_463 = arith.index_cast %get3A_462 : i32 to index
        %get3A_464 = arith.index_cast %mul3A_406 : i32 to index
        %get3A_465 = tpu.vector_load %arg18[%get3A_463, %get3A_464] {strides = array<i32>} : memref<8x1024xf32, #tpu.memory_space<vmem>>, vector<1x16xf32>,
        %get3A_466 = vector.shape_cast %get3A_465 : vector<1x16xf32> to vector<16xf32>
        %add3A_467 = arith.addf %add3A_461, %get3A_466 : vector<16xf32>
        %swap3A_468 = arith.constant 2 : i32
        %swap3A_469 = arith.index_cast %swap3A_468 : i32 to index
        %swap3A_470 = arith.index_cast %mul3A_406 : i32 to index
        %swap3A_471 = tpu.vector_load %arg9[%swap3A_469, %swap3A_470] {strides = array<i32>} : memref<8x1024xf32, #tpu.memory_space<vmem>>, vector<1x16xf32>,
        %swap3A_472 = vector.shape_cast %swap3A_471 : vector<1x16xf32> to vector<16xf32>
        %swap3A_473 = vector.shape_cast %add3A_467 : vector<16xf32> to vector<1x16xf32>
        tpu.vector_store %arg9[%swap3A_469, %swap3A_470], %swap3A_473 {add = true, strides = array<i32>} : memref<8x1024xf32, #tpu.memory_space<vmem>>, vector<1x16xf32>,
        %get3A_474 = arith.constant 3 : i32
        %get3A_475 = arith.index_cast %get3A_474 : i32 to index
        %get3A_476 = arith.index_cast %mul3A_406 : i32 to index
        %get3A_477 = tpu.vector_load %arg12[%get3A_475, %get3A_476] {strides = array<i32>} : memref<8x1024xf32, #tpu.memory_space<vmem>>, vector<1x16xf32>,
        %get3A_478 = vector.shape_cast %get3A_477 : vector<1x16xf32> to vector<16xf32>
        %get3A_479 = arith.constant 3 : i32
        %get3A_480 = arith.index_cast %get3A_479 : i32 to index
        %get3A_481 = arith.index_cast %mul3A_406 : i32 to index
        %get3A_482 = tpu.vector_load %arg15[%get3A_480, %get3A_481] {strides = array<i32>} : memref<8x1024xf32, #tpu.memory_space<vmem>>, vector<1x16xf32>,
        %get3A_483 = vector.shape_cast %get3A_482 : vector<1x16xf32> to vector<16xf32>
        %add3A_484 = arith.addf %get3A_478, %get3A_483 : vector<16xf32>
        %get3A_485 = arith.constant 3 : i32
        %get3A_486 = arith.index_cast %get3A_485 : i32 to index
        %get3A_487 = arith.index_cast %mul3A_406 : i32 to index
        %get3A_488 = tpu.vector_load %arg18[%get3A_486, %get3A_487] {strides = array<i32>} : memref<8x1024xf32, #tpu.memory_space<vmem>>, vector<1x16xf32>,
        %get3A_489 = vector.shape_cast %get3A_488 : vector<1x16xf32> to vector<16xf32>
        %add3A_490 = arith.addf %add3A_484, %get3A_489 : vector<16xf32>
        %swap3A_491 = arith.constant 3 : i32
        %swap3A_492 = arith.index_cast %swap3A_491 : i32 to index
        %swap3A_493 = arith.index_cast %mul3A_406 : i32 to index
        %swap3A_494 = tpu.vector_load %arg9[%swap3A_492, %swap3A_493] {strides = array<i32>} : memref<8x1024xf32, #tpu.memory_space<vmem>>, vector<1x16xf32>,
        %swap3A_495 = vector.shape_cast %swap3A_494 : vector<1x16xf32> to vector<16xf32>
        %swap3A_496 = vector.shape_cast %add3A_490 : vector<16xf32> to vector<1x16xf32>
        tpu.vector_store %arg9[%swap3A_492, %swap3A_493], %swap3A_496 {add = true, strides = array<i32>} : memref<8x1024xf32, #tpu.memory_space<vmem>>, vector<1x16xf32>,
        %get3A_497 = arith.constant 4 : i32
        %get3A_498 = arith.index_cast %get3A_497 : i32 to index
        %get3A_499 = arith.index_cast %mul3A_406 : i32 to index
        %get3A_500 = tpu.vector_load %arg12[%get3A_498, %get3A_499] {strides = array<i32>} : memref<8x1024xf32, #tpu.memory_space<vmem>>, vector<1x16xf32>,
        %get3A_501 = vector.shape_cast %get3A_500 : vector<1x16xf32> to vector<16xf32>
        %get3A_502 = arith.constant 4 : i32
        %get3A_503 = arith.index_cast %get3A_502 : i32 to index
        %get3A_504 = arith.index_cast %mul3A_406 : i32 to index
        %get3A_505 = tpu.vector_load %arg15[%get3A_503, %get3A_504] {strides = array<i32>} : memref<8x1024xf32, #tpu.memory_space<vmem>>, vector<1x16xf32>,
        %get3A_506 = vector.shape_cast %get3A_505 : vector<1x16xf32> to vector<16xf32>
        %add3A_507 = arith.addf %get3A_501, %get3A_506 : vector<16xf32>
        %get3A_508 = arith.constant 4 : i32
        %get3A_509 = arith.index_cast %get3A_508 : i32 to index
        %get3A_510 = arith.index_cast %mul3A_406 : i32 to index
        %get3A_511 = tpu.vector_load %arg18[%get3A_509, %get3A_510] {strides = array<i32>} : memref<8x1024xf32, #tpu.memory_space<vmem>>, vector<1x16xf32>,
        %get3A_512 = vector.shape_cast %get3A_511 : vector<1x16xf32> to vector<16xf32>
        %add3A_513 = arith.addf %add3A_507, %get3A_512 : vector<16xf32>
        %swap3A_514 = arith.constant 4 : i32
        %swap3A_515 = arith.index_cast %swap3A_514 : i32 to index
        %swap3A_516 = arith.index_cast %mul3A_406 : i32 to index
        %swap3A_517 = tpu.vector_load %arg9[%swap3A_515, %swap3A_516] {strides = array<i32>} : memref<8x1024xf32, #tpu.memory_space<vmem>>, vector<1x16xf32>,
        %swap3A_518 = vector.shape_cast %swap3A_517 : vector<1x16xf32> to vector<16xf32>
        %swap3A_519 = vector.shape_cast %add3A_513 : vector<16xf32> to vector<1x16xf32>
        tpu.vector_store %arg9[%swap3A_515, %swap3A_516], %swap3A_519 {add = true, strides = array<i32>} : memref<8x1024xf32, #tpu.memory_space<vmem>>, vector<1x16xf32>,
        %get3A_520 = arith.constant 5 : i32
        %get3A_521 = arith.index_cast %get3A_520 : i32 to index
        %get3A_522 = arith.index_cast %mul3A_406 : i32 to index
        %get3A_523 = tpu.vector_load %arg12[%get3A_521, %get3A_522] {strides = array<i32>} : memref<8x1024xf32, #tpu.memory_space<vmem>>, vector<1x16xf32>,
        %get3A_524 = vector.shape_cast %get3A_523 : vector<1x16xf32> to vector<16xf32>
        %get3A_525 = arith.constant 5 : i32
        %get3A_526 = arith.index_cast %get3A_525 : i32 to index
        %get3A_527 = arith.index_cast %mul3A_406 : i32 to index
        %get3A_528 = tpu.vector_load %arg15[%get3A_526, %get3A_527] {strides = array<i32>} : memref<8x1024xf32, #tpu.memory_space<vmem>>, vector<1x16xf32>,
        %get3A_529 = vector.shape_cast %get3A_528 : vector<1x16xf32> to vector<16xf32>
        %add3A_530 = arith.addf %get3A_524, %get3A_529 : vector<16xf32>
        %get3A_531 = arith.constant 5 : i32
        %get3A_532 = arith.index_cast %get3A_531 : i32 to index
        %get3A_533 = arith.index_cast %mul3A_406 : i32 to index
        %get3A_534 = tpu.vector_load %arg18[%get3A_532, %get3A_533] {strides = array<i32>} : memref<8x1024xf32, #tpu.memory_space<vmem>>, vector<1x16xf32>,
        %get3A_535 = vector.shape_cast %get3A_534 : vector<1x16xf32> to vector<16xf32>
        %add3A_536 = arith.addf %add3A_530, %get3A_535 : vector<16xf32>
        %swap3A_537 = arith.constant 5 : i32
        %swap3A_538 = arith.index_cast %swap3A_537 : i32 to index
        %swap3A_539 = arith.index_cast %mul3A_406 : i32 to index
        %swap3A_540 = tpu.vector_load %arg9[%swap3A_538, %swap3A_539] {strides = array<i32>} : memref<8x1024xf32, #tpu.memory_space<vmem>>, vector<1x16xf32>,
        %swap3A_541 = vector.shape_cast %swap3A_540 : vector<1x16xf32> to vector<16xf32>
        %swap3A_542 = vector.shape_cast %add3A_536 : vector<16xf32> to vector<1x16xf32>
        tpu.vector_store %arg9[%swap3A_538, %swap3A_539], %swap3A_542 {add = true, strides = array<i32>} : memref<8x1024xf32, #tpu.memory_space<vmem>>, vector<1x16xf32>,
        %get3A_543 = arith.constant 6 : i32
        %get3A_544 = arith.index_cast %get3A_543 : i32 to index
        %get3A_545 = arith.index_cast %mul3A_406 : i32 to index
        %get3A_546 = tpu.vector_load %arg12[%get3A_544, %get3A_545] {strides = array<i32>} : memref<8x1024xf32, #tpu.memory_space<vmem>>, vector<1x16xf32>,
        %get3A_547 = vector.shape_cast %get3A_546 : vector<1x16xf32> to vector<16xf32>
        %get3A_548 = arith.constant 6 : i32
        %get3A_549 = arith.index_cast %get3A_548 : i32 to index
        %get3A_550 = arith.index_cast %mul3A_406 : i32 to index
        %get3A_551 = tpu.vector_load %arg15[%get3A_549, %get3A_550] {strides = array<i32>} : memref<8x1024xf32, #tpu.memory_space<vmem>>, vector<1x16xf32>,
        %get3A_552 = vector.shape_cast %get3A_551 : vector<1x16xf32> to vector<16xf32>
        %add3A_553 = arith.addf %get3A_547, %get3A_552 : vector<16xf32>
        %get3A_554 = arith.constant 6 : i32
        %get3A_555 = arith.index_cast %get3A_554 : i32 to index
        %get3A_556 = arith.index_cast %mul3A_406 : i32 to index
        %get3A_557 = tpu.vector_load %arg18[%get3A_555, %get3A_556] {strides = array<i32>} : memref<8x1024xf32, #tpu.memory_space<vmem>>, vector<1x16xf32>,
        %get3A_558 = vector.shape_cast %get3A_557 : vector<1x16xf32> to vector<16xf32>
        %add3A_559 = arith.addf %add3A_553, %get3A_558 : vector<16xf32>
        %swap3A_560 = arith.constant 6 : i32
        %swap3A_561 = arith.index_cast %swap3A_560 : i32 to index
        %swap3A_562 = arith.index_cast %mul3A_406 : i32 to index
        %swap3A_563 = tpu.vector_load %arg9[%swap3A_561, %swap3A_562] {strides = array<i32>} : memref<8x1024xf32, #tpu.memory_space<vmem>>, vector<1x16xf32>,
        %swap3A_564 = vector.shape_cast %swap3A_563 : vector<1x16xf32> to vector<16xf32>
        %swap3A_565 = vector.shape_cast %add3A_559 : vector<16xf32> to vector<1x16xf32>
        tpu.vector_store %arg9[%swap3A_561, %swap3A_562], %swap3A_565 {add = true, strides = array<i32>} : memref<8x1024xf32, #tpu.memory_space<vmem>>, vector<1x16xf32>,
        %get3A_566 = arith.constant 7 : i32
        %get3A_567 = arith.index_cast %get3A_566 : i32 to index
        %get3A_568 = arith.index_cast %mul3A_406 : i32 to index
        %get3A_569 = tpu.vector_load %arg12[%get3A_567, %get3A_568] {strides = array<i32>} : memref<8x1024xf32, #tpu.memory_space<vmem>>, vector<1x16xf32>,
        %get3A_570 = vector.shape_cast %get3A_569 : vector<1x16xf32> to vector<16xf32>
        %get3A_571 = arith.constant 7 : i32
        %get3A_572 = arith.index_cast %get3A_571 : i32 to index
        %get3A_573 = arith.index_cast %mul3A_406 : i32 to index
        %get3A_574 = tpu.vector_load %arg15[%get3A_572, %get3A_573] {strides = array<i32>} : memref<8x1024xf32, #tpu.memory_space<vmem>>, vector<1x16xf32>,
        %get3A_575 = vector.shape_cast %get3A_574 : vector<1x16xf32> to vector<16xf32>
        %add3A_576 = arith.addf %get3A_570, %get3A_575 : vector<16xf32>
        %get3A_577 = arith.constant 7 : i32
        %get3A_578 = arith.index_cast %get3A_577 : i32 to index
        %get3A_579 = arith.index_cast %mul3A_406 : i32 to index
        %get3A_580 = tpu.vector_load %arg18[%get3A_578, %get3A_579] {strides = array<i32>} : memref<8x1024xf32, #tpu.memory_space<vmem>>, vector<1x16xf32>,
        %get3A_581 = vector.shape_cast %get3A_580 : vector<1x16xf32> to vector<16xf32>
        %add3A_582 = arith.addf %add3A_576, %get3A_581 : vector<16xf32>
        %swap3A_583 = arith.constant 7 : i32
        %swap3A_584 = arith.index_cast %swap3A_583 : i32 to index
        %swap3A_585 = arith.index_cast %mul3A_406 : i32 to index
        %swap3A_586 = tpu.vector_load %arg9[%swap3A_584, %swap3A_585] {strides = array<i32>} : memref<8x1024xf32, #tpu.memory_space<vmem>>, vector<1x16xf32>,
        %swap3A_587 = vector.shape_cast %swap3A_586 : vector<1x16xf32> to vector<16xf32>
        %swap3A_588 = vector.shape_cast %add3A_582 : vector<16xf32> to vector<1x16xf32>
        tpu.vector_store %arg9[%swap3A_584, %swap3A_585], %swap3A_588 {add = true, strides = array<i32>} : memref<8x1024xf32, #tpu.memory_space<vmem>>, vector<1x16xf32>,
        %scan3A_589 = arith.constant 0 : i32
        scf.yield %scan3A_589 : i32
      }
      %scan3A_229 = arith.constant 64 : i32
      %mul3A_230 = arith.constant 8 : i32
      %mul3A_231 = arith.muli %add3A_164, %mul3A_230 : i32
      %add3A_232 = arith.addi %mul3A_2, %mul3A_231 : i32
      %dma_start3A_233 = arith.constant 0 : i32
      %dma_start3A_234 = tpu.memref_slice %arg7[%add3A_232, %dma_start3A_233] : memref<32768x1024xf32, #tpu.memory_space<hbm>> -> memref<8x1024xf32, #tpu.memory_space<hbm>>
      %dma_start3A_235 = arith.constant 0 : i32
      %dma_start3A_236 = tpu.memref_slice %arg7[%add3A_232, %dma_start3A_235] : memref<32768x1024xf32, #tpu.memory_space<hbm>> -> memref<8x1024xf32, #tpu.memory_space<hbm>>
      tpu.enqueue_dma source(%arg9 : memref<8x1024xf32, #tpu.memory_space<vmem>>) target(%dma_start3A_236 : memref<8x1024xf32, #tpu.memory_space<hbm>>) target_semaphore(%arg24 : memref<!tpu.dma_semaphore, #tpu.memory_space<semaphore_mem>>)
      %mul3A_237 = arith.constant 3 : i32
      %mul3A_238 = arith.muli %mul3A_237, %scan3A_159 : i32
      %add3A_239 = arith.constant 1 : i32
      %add3A_240 = arith.addi %mul3A_238, %add3A_239 : i32
      %sub3A = arith.constant 1 : i32
      %sub3A_241 = arith.subi %add3A_240, %sub3A : i32
      %mul3A_242 = arith.constant 8 : i32
      %mul3A_243 = arith.muli %sub3A_241, %mul3A_242 : i32
      %add3A_244 = arith.addi %mul3A_2, %mul3A_243 : i32
      %dma_wait3A_245 = arith.constant 0 : i32
      %dma_wait3A_246 = tpu.memref_slice %arg7[%add3A_244, %dma_wait3A_245] : memref<32768x1024xf32, #tpu.memory_space<hbm>> -> memref<8x1024xf32, #tpu.memory_space<hbm>>
      %dma_wait3A_247 = arith.constant 0 : i32
      %dma_wait3A_248 = tpu.memref_slice %arg7[%add3A_244, %dma_wait3A_247] : memref<32768x1024xf32, #tpu.memory_space<hbm>> -> memref<8x1024xf32, #tpu.memory_space<hbm>>
      tpu.wait_dma2 semaphore(%arg24 : memref<!tpu.dma_semaphore, #tpu.memory_space<semaphore_mem>>) src(%arg9 : memref<8x1024xf32, #tpu.memory_space<vmem>>) dst(%dma_wait3A_248 : memref<8x1024xf32, #tpu.memory_space<hbm>>)
      %add3A_249 = arith.constant 2 : i32
      %add3A_250 = arith.addi %add3A_240, %add3A_249 : i32
      %mul3A_251 = arith.constant 8 : i32
      %mul3A_252 = arith.muli %add3A_250, %mul3A_251 : i32
      %add3A_253 = arith.addi %mul3A_2, %mul3A_252 : i32
      %mul3A_254 = arith.constant 8 : i32
      %mul3A_255 = arith.muli %add3A_250, %mul3A_254 : i32
      %dma_start3A_256 = arith.constant 0 : i32
      %dma_start3A_257 = tpu.memref_slice %arg2[%add3A_253, %dma_start3A_256] : memref<32768x1024xf32, #tpu.memory_space<hbm>> -> memref<8x1024xf32, #tpu.memory_space<hbm>>
      %dma_start3A_258 = arith.constant 0 : i32
      %dma_start3A_259 = tpu.memref_slice %arg2[%add3A_253, %dma_start3A_258] : memref<32768x1024xf32, #tpu.memory_space<hbm>> -> memref<8x1024xf32, #tpu.memory_space<hbm>>
      tpu.enqueue_dma source(%dma_start3A_259 : memref<8x1024xf32, #tpu.memory_space<hbm>>) target(%arg9 : memref<8x1024xf32, #tpu.memory_space<vmem>>) target_semaphore(%arg21 : memref<!tpu.dma_semaphore, #tpu.memory_space<semaphore_mem>>)
      %dma_start3A_260 = arith.constant 0 : i32
      %dma_start3A_261 = tpu.memref_slice %arg8[%dma_start3A_260, %mul3A_255] : memref<3x1024xi32, #tpu.memory_space<vmem>> -> memref<1x8xi32, #tpu.memory_space<vmem>>
      %dma_start3A_262 = tpu.memref_squeeze %dma_start3A_261 : memref<1x8xi32, #tpu.memory_space<vmem>> -> memref<8xi32, #tpu.memory_space<vmem>>
      %dma_start3A_263 = arith.constant 0 : i32
      %dma_start3A_264 = arith.constant 0 : i32
      %dma_start3A_265 = tpu.memref_slice %arg4[%dma_start3A_263, %dma_start3A_264] : memref<512x1024xf32, #tpu.memory_space<hbm>> -> memref<512x1024xf32, #tpu.memory_space<hbm>>
      tpu.enqueue_indirect_dma source(%dma_start3A_265 : memref<512x1024xf32, #tpu.memory_space<hbm>>) target(%arg12 : memref<8x1024xf32, #tpu.memory_space<vmem>>) offsets(%dma_start3A_262 : memref<8xi32, #tpu.memory_space<vmem>>) semaphore(%arg21 : memref<!tpu.dma_semaphore, #tpu.memory_space<semaphore_mem>>)
      %dma_start3A_266 = arith.constant 1 : i32
      %dma_start3A_267 = tpu.memref_slice %arg8[%dma_start3A_266, %mul3A_255] : memref<3x1024xi32, #tpu.memory_space<vmem>> -> memref<1x8xi32, #tpu.memory_space<vmem>>
      %dma_start3A_268 = tpu.memref_squeeze %dma_start3A_267 : memref<1x8xi32, #tpu.memory_space<vmem>> -> memref<8xi32, #tpu.memory_space<vmem>>
      %dma_start3A_269 = arith.constant 0 : i32
      %dma_start3A_270 = arith.constant 0 : i32
      %dma_start3A_271 = tpu.memref_slice %arg5[%dma_start3A_269, %dma_start3A_270] : memref<512x1024xf32, #tpu.memory_space<hbm>> -> memref<512x1024xf32, #tpu.memory_space<hbm>>
      tpu.enqueue_indirect_dma source(%dma_start3A_271 : memref<512x1024xf32, #tpu.memory_space<hbm>>) target(%arg15 : memref<8x1024xf32, #tpu.memory_space<vmem>>) offsets(%dma_start3A_268 : memref<8xi32, #tpu.memory_space<vmem>>) semaphore(%arg21 : memref<!tpu.dma_semaphore, #tpu.memory_space<semaphore_mem>>)
      %dma_start3A_272 = arith.constant 2 : i32
      %dma_start3A_273 = tpu.memref_slice %arg8[%dma_start3A_272, %mul3A_255] : memref<3x1024xi32, #tpu.memory_space<vmem>> -> memref<1x8xi32, #tpu.memory_space<vmem>>
      %dma_start3A_274 = tpu.memref_squeeze %dma_start3A_273 : memref<1x8xi32, #tpu.memory_space<vmem>> -> memref<8xi32, #tpu.memory_space<vmem>>
      %dma_start3A_275 = arith.constant 0 : i32
      %dma_start3A_276 = arith.constant 0 : i32
      %dma_start3A_277 = tpu.memref_slice %arg6[%dma_start3A_275, %dma_start3A_276] : memref<8192x1024xf32, #tpu.memory_space<hbm>> -> memref<8192x1024xf32, #tpu.memory_space<hbm>>
      tpu.enqueue_indirect_dma source(%dma_start3A_277 : memref<8192x1024xf32, #tpu.memory_space<hbm>>) target(%arg18 : memref<8x1024xf32, #tpu.memory_space<vmem>>) offsets(%dma_start3A_274 : memref<8xi32, #tpu.memory_space<vmem>>) semaphore(%arg21 : memref<!tpu.dma_semaphore, #tpu.memory_space<semaphore_mem>>)
      %mul3A_278 = arith.constant 8 : i32
      %mul3A_279 = arith.muli %add3A_240, %mul3A_278 : i32
      %add3A_280 = arith.addi %mul3A_2, %mul3A_279 : i32
      %mul3A_281 = arith.constant 8 : i32
      %mul3A_282 = arith.muli %add3A_240, %mul3A_281 : i32
      %dma_wait3A_283 = arith.constant 0 : i32
      %dma_wait3A_284 = tpu.memref_slice %arg2[%add3A_280, %dma_wait3A_283] : memref<32768x1024xf32, #tpu.memory_space<hbm>> -> memref<8x1024xf32, #tpu.memory_space<hbm>>
      %dma_wait3A_285 = arith.constant 0 : i32
      %dma_wait3A_286 = tpu.memref_slice %arg2[%add3A_280, %dma_wait3A_285] : memref<32768x1024xf32, #tpu.memory_space<hbm>> -> memref<8x1024xf32, #tpu.memory_space<hbm>>
      tpu.wait_dma2 semaphore(%arg22 : memref<!tpu.dma_semaphore, #tpu.memory_space<semaphore_mem>>) src(%dma_wait3A_286 : memref<8x1024xf32, #tpu.memory_space<hbm>>) dst(%arg10 : memref<8x1024xf32, #tpu.memory_space<vmem>>)
      %dma_wait3A_287 = arith.constant 0 : i32
      %dma_wait3A_288 = tpu.memref_slice %arg8[%dma_wait3A_287, %mul3A_282] : memref<3x1024xi32, #tpu.memory_space<vmem>> -> memref<1x8xi32, #tpu.memory_space<vmem>>
      %dma_wait3A_289 = tpu.memref_squeeze %dma_wait3A_288 : memref<1x8xi32, #tpu.memory_space<vmem>> -> memref<8xi32, #tpu.memory_space<vmem>>
      %dma_wait3A_290 = arith.constant 0 : i32
      %dma_wait3A_291 = arith.constant 0 : i32
      %dma_wait3A_292 = tpu.memref_slice %arg4[%dma_wait3A_290, %dma_wait3A_291] : memref<512x1024xf32, #tpu.memory_space<hbm>> -> memref<512x1024xf32, #tpu.memory_space<hbm>>
      tpu.wait_indirect_dma semaphore(%arg22 : memref<!tpu.dma_semaphore, #tpu.memory_space<semaphore_mem>>) src(%dma_wait3A_292 : memref<512x1024xf32, #tpu.memory_space<hbm>>) dst(%arg13 : memref<8x1024xf32, #tpu.memory_space<vmem>>)
      %dma_wait3A_293 = arith.constant 1 : i32
      %dma_wait3A_294 = tpu.memref_slice %arg8[%dma_wait3A_293, %mul3A_282] : memref<3x1024xi32, #tpu.memory_space<vmem>> -> memref<1x8xi32, #tpu.memory_space<vmem>>
      %dma_wait3A_295 = tpu.memref_squeeze %dma_wait3A_294 : memref<1x8xi32, #tpu.memory_space<vmem>> -> memref<8xi32, #tpu.memory_space<vmem>>
      %dma_wait3A_296 = arith.constant 0 : i32
      %dma_wait3A_297 = arith.constant 0 : i32
      %dma_wait3A_298 = tpu.memref_slice %arg5[%dma_wait3A_296, %dma_wait3A_297] : memref<512x1024xf32, #tpu.memory_space<hbm>> -> memref<512x1024xf32, #tpu.memory_space<hbm>>
      tpu.wait_indirect_dma semaphore(%arg22 : memref<!tpu.dma_semaphore, #tpu.memory_space<semaphore_mem>>) src(%dma_wait3A_298 : memref<512x1024xf32, #tpu.memory_space<hbm>>) dst(%arg16 : memref<8x1024xf32, #tpu.memory_space<vmem>>)
      %dma_wait3A_299 = arith.constant 2 : i32
      %dma_wait3A_300 = tpu.memref_slice %arg8[%dma_wait3A_299, %mul3A_282] : memref<3x1024xi32, #tpu.memory_space<vmem>> -> memref<1x8xi32, #tpu.memory_space<vmem>>
      %dma_wait3A_301 = tpu.memref_squeeze %dma_wait3A_300 : memref<1x8xi32, #tpu.memory_space<vmem>> -> memref<8xi32, #tpu.memory_space<vmem>>
      %dma_wait3A_302 = arith.constant 0 : i32
      %dma_wait3A_303 = arith.constant 0 : i32
      %dma_wait3A_304 = tpu.memref_slice %arg6[%dma_wait3A_302, %dma_wait3A_303] : memref<8192x1024xf32, #tpu.memory_space<hbm>> -> memref<8192x1024xf32, #tpu.memory_space<hbm>>
      tpu.wait_indirect_dma semaphore(%arg22 : memref<!tpu.dma_semaphore, #tpu.memory_space<semaphore_mem>>) src(%dma_wait3A_304 : memref<8192x1024xf32, #tpu.memory_space<hbm>>) dst(%arg19 : memref<8x1024xf32, #tpu.memory_space<vmem>>)
      %scan3A_305 = arith.constant 0 : i32
      %scan3A_306 = arith.constant 0 : i32
      %scan3A_307 = arith.constant 64 : i32
      %scan3A_308 = arith.addi %scan3A_306, %scan3A_307 : i32
      %scan3A_309 = arith.constant 1 : i32
      %scan3A_310 = scf.for %scan3A_403 = %scan3A_306 to %scan3A_308 step %scan3A_309 iter_args(%scan3A_404 = %scan3A_305) -> (i32)  : i32 {
        %mul3A_405 = arith.constant 16 : i32
        %mul3A_406 = arith.muli %scan3A_403, %mul3A_405 : i32
        %get3A = arith.constant 0 : i32
        %get3A_407 = arith.index_cast %get3A : i32 to index
        %get3A_408 = arith.index_cast %mul3A_406 : i32 to index
        %get3A_409 = tpu.vector_load %arg13[%get3A_407, %get3A_408] {strides = array<i32>} : memref<8x1024xf32, #tpu.memory_space<vmem>>, vector<1x16xf32>,
        %get3A_410 = vector.shape_cast %get3A_409 : vector<1x16xf32> to vector<16xf32>
        %get3A_411 = arith.constant 0 : i32
        %get3A_412 = arith.index_cast %get3A_411 : i32 to index
        %get3A_413 = arith.index_cast %mul3A_406 : i32 to index
        %get3A_414 = tpu.vector_load %arg16[%get3A_412, %get3A_413] {strides = array<i32>} : memref<8x1024xf32, #tpu.memory_space<vmem>>, vector<1x16xf32>,
        %get3A_415 = vector.shape_cast %get3A_414 : vector<1x16xf32> to vector<16xf32>
        %add3A_416 = arith.addf %get3A_410, %get3A_415 : vector<16xf32>
        %get3A_417 = arith.constant 0 : i32
        %get3A_418 = arith.index_cast %get3A_417 : i32 to index
        %get3A_419 = arith.index_cast %mul3A_406 : i32 to index
        %get3A_420 = tpu.vector_load %arg19[%get3A_418, %get3A_419] {strides = array<i32>} : memref<8x1024xf32, #tpu.memory_space<vmem>>, vector<1x16xf32>,
        %get3A_421 = vector.shape_cast %get3A_420 : vector<1x16xf32> to vector<16xf32>
        %add3A_422 = arith.addf %add3A_416, %get3A_421 : vector<16xf32>
        %swap3A = arith.constant 0 : i32
        %swap3A_423 = arith.index_cast %swap3A : i32 to index
        %swap3A_424 = arith.index_cast %mul3A_406 : i32 to index
        %swap3A_425 = tpu.vector_load %arg10[%swap3A_423, %swap3A_424] {strides = array<i32>} : memref<8x1024xf32, #tpu.memory_space<vmem>>, vector<1x16xf32>,
        %swap3A_426 = vector.shape_cast %swap3A_425 : vector<1x16xf32> to vector<16xf32>
        %swap3A_427 = vector.shape_cast %add3A_422 : vector<16xf32> to vector<1x16xf32>
        tpu.vector_store %arg10[%swap3A_423, %swap3A_424], %swap3A_427 {add = true, strides = array<i32>} : memref<8x1024xf32, #tpu.memory_space<vmem>>, vector<1x16xf32>,
        %get3A_428 = arith.constant 1 : i32
        %get3A_429 = arith.index_cast %get3A_428 : i32 to index
        %get3A_430 = arith.index_cast %mul3A_406 : i32 to index
        %get3A_431 = tpu.vector_load %arg13[%get3A_429, %get3A_430] {strides = array<i32>} : memref<8x1024xf32, #tpu.memory_space<vmem>>, vector<1x16xf32>,
        %get3A_432 = vector.shape_cast %get3A_431 : vector<1x16xf32> to vector<16xf32>
        %get3A_433 = arith.constant 1 : i32
        %get3A_434 = arith.index_cast %get3A_433 : i32 to index
        %get3A_435 = arith.index_cast %mul3A_406 : i32 to index
        %get3A_436 = tpu.vector_load %arg16[%get3A_434, %get3A_435] {strides = array<i32>} : memref<8x1024xf32, #tpu.memory_space<vmem>>, vector<1x16xf32>,
        %get3A_437 = vector.shape_cast %get3A_436 : vector<1x16xf32> to vector<16xf32>
        %add3A_438 = arith.addf %get3A_432, %get3A_437 : vector<16xf32>
        %get3A_439 = arith.constant 1 : i32
        %get3A_440 = arith.index_cast %get3A_439 : i32 to index
        %get3A_441 = arith.index_cast %mul3A_406 : i32 to index
        %get3A_442 = tpu.vector_load %arg19[%get3A_440, %get3A_441] {strides = array<i32>} : memref<8x1024xf32, #tpu.memory_space<vmem>>, vector<1x16xf32>,
        %get3A_443 = vector.shape_cast %get3A_442 : vector<1x16xf32> to vector<16xf32>
        %add3A_444 = arith.addf %add3A_438, %get3A_443 : vector<16xf32>
        %swap3A_445 = arith.constant 1 : i32
        %swap3A_446 = arith.index_cast %swap3A_445 : i32 to index
        %swap3A_447 = arith.index_cast %mul3A_406 : i32 to index
        %swap3A_448 = tpu.vector_load %arg10[%swap3A_446, %swap3A_447] {strides = array<i32>} : memref<8x1024xf32, #tpu.memory_space<vmem>>, vector<1x16xf32>,
        %swap3A_449 = vector.shape_cast %swap3A_448 : vector<1x16xf32> to vector<16xf32>
        %swap3A_450 = vector.shape_cast %add3A_444 : vector<16xf32> to vector<1x16xf32>
        tpu.vector_store %arg10[%swap3A_446, %swap3A_447], %swap3A_450 {add = true, strides = array<i32>} : memref<8x1024xf32, #tpu.memory_space<vmem>>, vector<1x16xf32>,
        %get3A_451 = arith.constant 2 : i32
        %get3A_452 = arith.index_cast %get3A_451 : i32 to index
        %get3A_453 = arith.index_cast %mul3A_406 : i32 to index
        %get3A_454 = tpu.vector_load %arg13[%get3A_452, %get3A_453] {strides = array<i32>} : memref<8x1024xf32, #tpu.memory_space<vmem>>, vector<1x16xf32>,
        %get3A_455 = vector.shape_cast %get3A_454 : vector<1x16xf32> to vector<16xf32>
        %get3A_456 = arith.constant 2 : i32
        %get3A_457 = arith.index_cast %get3A_456 : i32 to index
        %get3A_458 = arith.index_cast %mul3A_406 : i32 to index
        %get3A_459 = tpu.vector_load %arg16[%get3A_457, %get3A_458] {strides = array<i32>} : memref<8x1024xf32, #tpu.memory_space<vmem>>, vector<1x16xf32>,
        %get3A_460 = vector.shape_cast %get3A_459 : vector<1x16xf32> to vector<16xf32>
        %add3A_461 = arith.addf %get3A_455, %get3A_460 : vector<16xf32>
        %get3A_462 = arith.constant 2 : i32
        %get3A_463 = arith.index_cast %get3A_462 : i32 to index
        %get3A_464 = arith.index_cast %mul3A_406 : i32 to index
        %get3A_465 = tpu.vector_load %arg19[%get3A_463, %get3A_464] {strides = array<i32>} : memref<8x1024xf32, #tpu.memory_space<vmem>>, vector<1x16xf32>,
        %get3A_466 = vector.shape_cast %get3A_465 : vector<1x16xf32> to vector<16xf32>
        %add3A_467 = arith.addf %add3A_461, %get3A_466 : vector<16xf32>
        %swap3A_468 = arith.constant 2 : i32
        %swap3A_469 = arith.index_cast %swap3A_468 : i32 to index
        %swap3A_470 = arith.index_cast %mul3A_406 : i32 to index
        %swap3A_471 = tpu.vector_load %arg10[%swap3A_469, %swap3A_470] {strides = array<i32>} : memref<8x1024xf32, #tpu.memory_space<vmem>>, vector<1x16xf32>,
        %swap3A_472 = vector.shape_cast %swap3A_471 : vector<1x16xf32> to vector<16xf32>
        %swap3A_473 = vector.shape_cast %add3A_467 : vector<16xf32> to vector<1x16xf32>
        tpu.vector_store %arg10[%swap3A_469, %swap3A_470], %swap3A_473 {add = true, strides = array<i32>} : memref<8x1024xf32, #tpu.memory_space<vmem>>, vector<1x16xf32>,
        %get3A_474 = arith.constant 3 : i32
        %get3A_475 = arith.index_cast %get3A_474 : i32 to index
        %get3A_476 = arith.index_cast %mul3A_406 : i32 to index
        %get3A_477 = tpu.vector_load %arg13[%get3A_475, %get3A_476] {strides = array<i32>} : memref<8x1024xf32, #tpu.memory_space<vmem>>, vector<1x16xf32>,
        %get3A_478 = vector.shape_cast %get3A_477 : vector<1x16xf32> to vector<16xf32>
        %get3A_479 = arith.constant 3 : i32
        %get3A_480 = arith.index_cast %get3A_479 : i32 to index
        %get3A_481 = arith.index_cast %mul3A_406 : i32 to index
        %get3A_482 = tpu.vector_load %arg16[%get3A_480, %get3A_481] {strides = array<i32>} : memref<8x1024xf32, #tpu.memory_space<vmem>>, vector<1x16xf32>,
        %get3A_483 = vector.shape_cast %get3A_482 : vector<1x16xf32> to vector<16xf32>
        %add3A_484 = arith.addf %get3A_478, %get3A_483 : vector<16xf32>
        %get3A_485 = arith.constant 3 : i32
        %get3A_486 = arith.index_cast %get3A_485 : i32 to index
        %get3A_487 = arith.index_cast %mul3A_406 : i32 to index
        %get3A_488 = tpu.vector_load %arg19[%get3A_486, %get3A_487] {strides = array<i32>} : memref<8x1024xf32, #tpu.memory_space<vmem>>, vector<1x16xf32>,
        %get3A_489 = vector.shape_cast %get3A_488 : vector<1x16xf32> to vector<16xf32>
        %add3A_490 = arith.addf %add3A_484, %get3A_489 : vector<16xf32>
        %swap3A_491 = arith.constant 3 : i32
        %swap3A_492 = arith.index_cast %swap3A_491 : i32 to index
        %swap3A_493 = arith.index_cast %mul3A_406 : i32 to index
        %swap3A_494 = tpu.vector_load %arg10[%swap3A_492, %swap3A_493] {strides = array<i32>} : memref<8x1024xf32, #tpu.memory_space<vmem>>, vector<1x16xf32>,
        %swap3A_495 = vector.shape_cast %swap3A_494 : vector<1x16xf32> to vector<16xf32>
        %swap3A_496 = vector.shape_cast %add3A_490 : vector<16xf32> to vector<1x16xf32>
        tpu.vector_store %arg10[%swap3A_492, %swap3A_493], %swap3A_496 {add = true, strides = array<i32>} : memref<8x1024xf32, #tpu.memory_space<vmem>>, vector<1x16xf32>,
        %get3A_497 = arith.constant 4 : i32
        %get3A_498 = arith.index_cast %get3A_497 : i32 to index
        %get3A_499 = arith.index_cast %mul3A_406 : i32 to index
        %get3A_500 = tpu.vector_load %arg13[%get3A_498, %get3A_499] {strides = array<i32>} : memref<8x1024xf32, #tpu.memory_space<vmem>>, vector<1x16xf32>,
        %get3A_501 = vector.shape_cast %get3A_500 : vector<1x16xf32> to vector<16xf32>
        %get3A_502 = arith.constant 4 : i32
        %get3A_503 = arith.index_cast %get3A_502 : i32 to index
        %get3A_504 = arith.index_cast %mul3A_406 : i32 to index
        %get3A_505 = tpu.vector_load %arg16[%get3A_503, %get3A_504] {strides = array<i32>} : memref<8x1024xf32, #tpu.memory_space<vmem>>, vector<1x16xf32>,
        %get3A_506 = vector.shape_cast %get3A_505 : vector<1x16xf32> to vector<16xf32>
        %add3A_507 = arith.addf %get3A_501, %get3A_506 : vector<16xf32>
        %get3A_508 = arith.constant 4 : i32
        %get3A_509 = arith.index_cast %get3A_508 : i32 to index
        %get3A_510 = arith.index_cast %mul3A_406 : i32 to index
        %get3A_511 = tpu.vector_load %arg19[%get3A_509, %get3A_510] {strides = array<i32>} : memref<8x1024xf32, #tpu.memory_space<vmem>>, vector<1x16xf32>,
        %get3A_512 = vector.shape_cast %get3A_511 : vector<1x16xf32> to vector<16xf32>
        %add3A_513 = arith.addf %add3A_507, %get3A_512 : vector<16xf32>
        %swap3A_514 = arith.constant 4 : i32
        %swap3A_515 = arith.index_cast %swap3A_514 : i32 to index
        %swap3A_516 = arith.index_cast %mul3A_406 : i32 to index
        %swap3A_517 = tpu.vector_load %arg10[%swap3A_515, %swap3A_516] {strides = array<i32>} : memref<8x1024xf32, #tpu.memory_space<vmem>>, vector<1x16xf32>,
        %swap3A_518 = vector.shape_cast %swap3A_517 : vector<1x16xf32> to vector<16xf32>
        %swap3A_519 = vector.shape_cast %add3A_513 : vector<16xf32> to vector<1x16xf32>
        tpu.vector_store %arg10[%swap3A_515, %swap3A_516], %swap3A_519 {add = true, strides = array<i32>} : memref<8x1024xf32, #tpu.memory_space<vmem>>, vector<1x16xf32>,
        %get3A_520 = arith.constant 5 : i32
        %get3A_521 = arith.index_cast %get3A_520 : i32 to index
        %get3A_522 = arith.index_cast %mul3A_406 : i32 to index
        %get3A_523 = tpu.vector_load %arg13[%get3A_521, %get3A_522] {strides = array<i32>} : memref<8x1024xf32, #tpu.memory_space<vmem>>, vector<1x16xf32>,
        %get3A_524 = vector.shape_cast %get3A_523 : vector<1x16xf32> to vector<16xf32>
        %get3A_525 = arith.constant 5 : i32
        %get3A_526 = arith.index_cast %get3A_525 : i32 to index
        %get3A_527 = arith.index_cast %mul3A_406 : i32 to index
        %get3A_528 = tpu.vector_load %arg16[%get3A_526, %get3A_527] {strides = array<i32>} : memref<8x1024xf32, #tpu.memory_space<vmem>>, vector<1x16xf32>,
        %get3A_529 = vector.shape_cast %get3A_528 : vector<1x16xf32> to vector<16xf32>
        %add3A_530 = arith.addf %get3A_524, %get3A_529 : vector<16xf32>
        %get3A_531 = arith.constant 5 : i32
        %get3A_532 = arith.index_cast %get3A_531 : i32 to index
        %get3A_533 = arith.index_cast %mul3A_406 : i32 to index
        %get3A_534 = tpu.vector_load %arg19[%get3A_532, %get3A_533] {strides = array<i32>} : memref<8x1024xf32, #tpu.memory_space<vmem>>, vector<1x16xf32>,
        %get3A_535 = vector.shape_cast %get3A_534 : vector<1x16xf32> to vector<16xf32>
        %add3A_536 = arith.addf %add3A_530, %get3A_535 : vector<16xf32>
        %swap3A_537 = arith.constant 5 : i32
        %swap3A_538 = arith.index_cast %swap3A_537 : i32 to index
        %swap3A_539 = arith.index_cast %mul3A_406 : i32 to index
        %swap3A_540 = tpu.vector_load %arg10[%swap3A_538, %swap3A_539] {strides = array<i32>} : memref<8x1024xf32, #tpu.memory_space<vmem>>, vector<1x16xf32>,
        %swap3A_541 = vector.shape_cast %swap3A_540 : vector<1x16xf32> to vector<16xf32>
        %swap3A_542 = vector.shape_cast %add3A_536 : vector<16xf32> to vector<1x16xf32>
        tpu.vector_store %arg10[%swap3A_538, %swap3A_539], %swap3A_542 {add = true, strides = array<i32>} : memref<8x1024xf32, #tpu.memory_space<vmem>>, vector<1x16xf32>,
        %get3A_543 = arith.constant 6 : i32
        %get3A_544 = arith.index_cast %get3A_543 : i32 to index
        %get3A_545 = arith.index_cast %mul3A_406 : i32 to index
        %get3A_546 = tpu.vector_load %arg13[%get3A_544, %get3A_545] {strides = array<i32>} : memref<8x1024xf32, #tpu.memory_space<vmem>>, vector<1x16xf32>,
        %get3A_547 = vector.shape_cast %get3A_546 : vector<1x16xf32> to vector<16xf32>
        %get3A_548 = arith.constant 6 : i32
        %get3A_549 = arith.index_cast %get3A_548 : i32 to index
        %get3A_550 = arith.index_cast %mul3A_406 : i32 to index
        %get3A_551 = tpu.vector_load %arg16[%get3A_549, %get3A_550] {strides = array<i32>} : memref<8x1024xf32, #tpu.memory_space<vmem>>, vector<1x16xf32>,
        %get3A_552 = vector.shape_cast %get3A_551 : vector<1x16xf32> to vector<16xf32>
        %add3A_553 = arith.addf %get3A_547, %get3A_552 : vector<16xf32>
        %get3A_554 = arith.constant 6 : i32
        %get3A_555 = arith.index_cast %get3A_554 : i32 to index
        %get3A_556 = arith.index_cast %mul3A_406 : i32 to index
        %get3A_557 = tpu.vector_load %arg19[%get3A_555, %get3A_556] {strides = array<i32>} : memref<8x1024xf32, #tpu.memory_space<vmem>>, vector<1x16xf32>,
        %get3A_558 = vector.shape_cast %get3A_557 : vector<1x16xf32> to vector<16xf32>
        %add3A_559 = arith.addf %add3A_553, %get3A_558 : vector<16xf32>
        %swap3A_560 = arith.constant 6 : i32
        %swap3A_561 = arith.index_cast %swap3A_560 : i32 to index
        %swap3A_562 = arith.index_cast %mul3A_406 : i32 to index
        %swap3A_563 = tpu.vector_load %arg10[%swap3A_561, %swap3A_562] {strides = array<i32>} : memref<8x1024xf32, #tpu.memory_space<vmem>>, vector<1x16xf32>,
        %swap3A_564 = vector.shape_cast %swap3A_563 : vector<1x16xf32> to vector<16xf32>
        %swap3A_565 = vector.shape_cast %add3A_559 : vector<16xf32> to vector<1x16xf32>
        tpu.vector_store %arg10[%swap3A_561, %swap3A_562], %swap3A_565 {add = true, strides = array<i32>} : memref<8x1024xf32, #tpu.memory_space<vmem>>, vector<1x16xf32>,
        %get3A_566 = arith.constant 7 : i32
        %get3A_567 = arith.index_cast %get3A_566 : i32 to index
        %get3A_568 = arith.index_cast %mul3A_406 : i32 to index
        %get3A_569 = tpu.vector_load %arg13[%get3A_567, %get3A_568] {strides = array<i32>} : memref<8x1024xf32, #tpu.memory_space<vmem>>, vector<1x16xf32>,
        %get3A_570 = vector.shape_cast %get3A_569 : vector<1x16xf32> to vector<16xf32>
        %get3A_571 = arith.constant 7 : i32
        %get3A_572 = arith.index_cast %get3A_571 : i32 to index
        %get3A_573 = arith.index_cast %mul3A_406 : i32 to index
        %get3A_574 = tpu.vector_load %arg16[%get3A_572, %get3A_573] {strides = array<i32>} : memref<8x1024xf32, #tpu.memory_space<vmem>>, vector<1x16xf32>,
        %get3A_575 = vector.shape_cast %get3A_574 : vector<1x16xf32> to vector<16xf32>
        %add3A_576 = arith.addf %get3A_570, %get3A_575 : vector<16xf32>
        %get3A_577 = arith.constant 7 : i32
        %get3A_578 = arith.index_cast %get3A_577 : i32 to index
        %get3A_579 = arith.index_cast %mul3A_406 : i32 to index
        %get3A_580 = tpu.vector_load %arg19[%get3A_578, %get3A_579] {strides = array<i32>} : memref<8x1024xf32, #tpu.memory_space<vmem>>, vector<1x16xf32>,
        %get3A_581 = vector.shape_cast %get3A_580 : vector<1x16xf32> to vector<16xf32>
        %add3A_582 = arith.addf %add3A_576, %get3A_581 : vector<16xf32>
        %swap3A_583 = arith.constant 7 : i32
        %swap3A_584 = arith.index_cast %swap3A_583 : i32 to index
        %swap3A_585 = arith.index_cast %mul3A_406 : i32 to index
        %swap3A_586 = tpu.vector_load %arg10[%swap3A_584, %swap3A_585] {strides = array<i32>} : memref<8x1024xf32, #tpu.memory_space<vmem>>, vector<1x16xf32>,
        %swap3A_587 = vector.shape_cast %swap3A_586 : vector<1x16xf32> to vector<16xf32>
        %swap3A_588 = vector.shape_cast %add3A_582 : vector<16xf32> to vector<1x16xf32>
        tpu.vector_store %arg10[%swap3A_584, %swap3A_585], %swap3A_588 {add = true, strides = array<i32>} : memref<8x1024xf32, #tpu.memory_space<vmem>>, vector<1x16xf32>,
        %scan3A_589 = arith.constant 0 : i32
        scf.yield %scan3A_589 : i32
      }
      %scan3A_311 = arith.constant 64 : i32
      %mul3A_312 = arith.constant 8 : i32
      %mul3A_313 = arith.muli %add3A_240, %mul3A_312 : i32
      %add3A_314 = arith.addi %mul3A_2, %mul3A_313 : i32
      %dma_start3A_315 = arith.constant 0 : i32
      %dma_start3A_316 = tpu.memref_slice %arg7[%add3A_314, %dma_start3A_315] : memref<32768x1024xf32, #tpu.memory_space<hbm>> -> memref<8x1024xf32, #tpu.memory_space<hbm>>
      %dma_start3A_317 = arith.constant 0 : i32
      %dma_start3A_318 = tpu.memref_slice %arg7[%add3A_314, %dma_start3A_317] : memref<32768x1024xf32, #tpu.memory_space<hbm>> -> memref<8x1024xf32, #tpu.memory_space<hbm>>
      tpu.enqueue_dma source(%arg10 : memref<8x1024xf32, #tpu.memory_space<vmem>>) target(%dma_start3A_318 : memref<8x1024xf32, #tpu.memory_space<hbm>>) target_semaphore(%arg25 : memref<!tpu.dma_semaphore, #tpu.memory_space<semaphore_mem>>)
      %mul3A_319 = arith.constant 3 : i32
      %mul3A_320 = arith.muli %mul3A_319, %scan3A_159 : i32
      %add3A_321 = arith.constant 2 : i32
      %add3A_322 = arith.addi %mul3A_320, %add3A_321 : i32
      %sub3A_323 = arith.constant 1 : i32
      %sub3A_324 = arith.subi %add3A_322, %sub3A_323 : i32
      %mul3A_325 = arith.constant 8 : i32
      %mul3A_326 = arith.muli %sub3A_324, %mul3A_325 : i32
      %add3A_327 = arith.addi %mul3A_2, %mul3A_326 : i32
      %dma_wait3A_328 = arith.constant 0 : i32
      %dma_wait3A_329 = tpu.memref_slice %arg7[%add3A_327, %dma_wait3A_328] : memref<32768x1024xf32, #tpu.memory_space<hbm>> -> memref<8x1024xf32, #tpu.memory_space<hbm>>
      %dma_wait3A_330 = arith.constant 0 : i32
      %dma_wait3A_331 = tpu.memref_slice %arg7[%add3A_327, %dma_wait3A_330] : memref<32768x1024xf32, #tpu.memory_space<hbm>> -> memref<8x1024xf32, #tpu.memory_space<hbm>>
      tpu.wait_dma2 semaphore(%arg25 : memref<!tpu.dma_semaphore, #tpu.memory_space<semaphore_mem>>) src(%arg10 : memref<8x1024xf32, #tpu.memory_space<vmem>>) dst(%dma_wait3A_331 : memref<8x1024xf32, #tpu.memory_space<hbm>>)
      %add3A_332 = arith.constant 2 : i32
      %add3A_333 = arith.addi %add3A_322, %add3A_332 : i32
      %mul3A_334 = arith.constant 8 : i32
      %mul3A_335 = arith.muli %add3A_333, %mul3A_334 : i32
      %add3A_336 = arith.addi %mul3A_2, %mul3A_335 : i32
      %mul3A_337 = arith.constant 8 : i32
      %mul3A_338 = arith.muli %add3A_333, %mul3A_337 : i32
      %dma_start3A_339 = arith.constant 0 : i32
      %dma_start3A_340 = tpu.memref_slice %arg2[%add3A_336, %dma_start3A_339] : memref<32768x1024xf32, #tpu.memory_space<hbm>> -> memref<8x1024xf32, #tpu.memory_space<hbm>>
      %dma_start3A_341 = arith.constant 0 : i32
      %dma_start3A_342 = tpu.memref_slice %arg2[%add3A_336, %dma_start3A_341] : memref<32768x1024xf32, #tpu.memory_space<hbm>> -> memref<8x1024xf32, #tpu.memory_space<hbm>>
      tpu.enqueue_dma source(%dma_start3A_342 : memref<8x1024xf32, #tpu.memory_space<hbm>>) target(%arg10 : memref<8x1024xf32, #tpu.memory_space<vmem>>) target_semaphore(%arg22 : memref<!tpu.dma_semaphore, #tpu.memory_space<semaphore_mem>>)
      %dma_start3A_343 = arith.constant 0 : i32
      %dma_start3A_344 = tpu.memref_slice %arg8[%dma_start3A_343, %mul3A_338] : memref<3x1024xi32, #tpu.memory_space<vmem>> -> memref<1x8xi32, #tpu.memory_space<vmem>>
      %dma_start3A_345 = tpu.memref_squeeze %dma_start3A_344 : memref<1x8xi32, #tpu.memory_space<vmem>> -> memref<8xi32, #tpu.memory_space<vmem>>
      %dma_start3A_346 = arith.constant 0 : i32
      %dma_start3A_347 = arith.constant 0 : i32
      %dma_start3A_348 = tpu.memref_slice %arg4[%dma_start3A_346, %dma_start3A_347] : memref<512x1024xf32, #tpu.memory_space<hbm>> -> memref<512x1024xf32, #tpu.memory_space<hbm>>
      tpu.enqueue_indirect_dma source(%dma_start3A_348 : memref<512x1024xf32, #tpu.memory_space<hbm>>) target(%arg13 : memref<8x1024xf32, #tpu.memory_space<vmem>>) offsets(%dma_start3A_345 : memref<8xi32, #tpu.memory_space<vmem>>) semaphore(%arg22 : memref<!tpu.dma_semaphore, #tpu.memory_space<semaphore_mem>>)
      %dma_start3A_349 = arith.constant 1 : i32
      %dma_start3A_350 = tpu.memref_slice %arg8[%dma_start3A_349, %mul3A_338] : memref<3x1024xi32, #tpu.memory_space<vmem>> -> memref<1x8xi32, #tpu.memory_space<vmem>>
      %dma_start3A_351 = tpu.memref_squeeze %dma_start3A_350 : memref<1x8xi32, #tpu.memory_space<vmem>> -> memref<8xi32, #tpu.memory_space<vmem>>
      %dma_start3A_352 = arith.constant 0 : i32
      %dma_start3A_353 = arith.constant 0 : i32
      %dma_start3A_354 = tpu.memref_slice %arg5[%dma_start3A_352, %dma_start3A_353] : memref<512x1024xf32, #tpu.memory_space<hbm>> -> memref<512x1024xf32, #tpu.memory_space<hbm>>
      tpu.enqueue_indirect_dma source(%dma_start3A_354 : memref<512x1024xf32, #tpu.memory_space<hbm>>) target(%arg16 : memref<8x1024xf32, #tpu.memory_space<vmem>>) offsets(%dma_start3A_351 : memref<8xi32, #tpu.memory_space<vmem>>) semaphore(%arg22 : memref<!tpu.dma_semaphore, #tpu.memory_space<semaphore_mem>>)
      %dma_start3A_355 = arith.constant 2 : i32
      %dma_start3A_356 = tpu.memref_slice %arg8[%dma_start3A_355, %mul3A_338] : memref<3x1024xi32, #tpu.memory_space<vmem>> -> memref<1x8xi32, #tpu.memory_space<vmem>>
      %dma_start3A_357 = tpu.memref_squeeze %dma_start3A_356 : memref<1x8xi32, #tpu.memory_space<vmem>> -> memref<8xi32, #tpu.memory_space<vmem>>
      %dma_start3A_358 = arith.constant 0 : i32
      %dma_start3A_359 = arith.constant 0 : i32
      %dma_start3A_360 = tpu.memref_slice %arg6[%dma_start3A_358, %dma_start3A_359] : memref<8192x1024xf32, #tpu.memory_space<hbm>> -> memref<8192x1024xf32, #tpu.memory_space<hbm>>
      tpu.enqueue_indirect_dma source(%dma_start3A_360 : memref<8192x1024xf32, #tpu.memory_space<hbm>>) target(%arg19 : memref<8x1024xf32, #tpu.memory_space<vmem>>) offsets(%dma_start3A_357 : memref<8xi32, #tpu.memory_space<vmem>>) semaphore(%arg22 : memref<!tpu.dma_semaphore, #tpu.memory_space<semaphore_mem>>)
      %mul3A_361 = arith.constant 8 : i32
      %mul3A_362 = arith.muli %add3A_322, %mul3A_361 : i32
      %add3A_363 = arith.addi %mul3A_2, %mul3A_362 : i32
      %mul3A_364 = arith.constant 8 : i32
      %mul3A_365 = arith.muli %add3A_322, %mul3A_364 : i32
      %dma_wait3A_366 = arith.constant 0 : i32
      %dma_wait3A_367 = tpu.memref_slice %arg2[%add3A_363, %dma_wait3A_366] : memref<32768x1024xf32, #tpu.memory_space<hbm>> -> memref<8x1024xf32, #tpu.memory_space<hbm>>
      %dma_wait3A_368 = arith.constant 0 : i32
      %dma_wait3A_369 = tpu.memref_slice %arg2[%add3A_363, %dma_wait3A_368] : memref<32768x1024xf32, #tpu.memory_space<hbm>> -> memref<8x1024xf32, #tpu.memory_space<hbm>>
      tpu.wait_dma2 semaphore(%arg23 : memref<!tpu.dma_semaphore, #tpu.memory_space<semaphore_mem>>) src(%dma_wait3A_369 : memref<8x1024xf32, #tpu.memory_space<hbm>>) dst(%arg11 : memref<8x1024xf32, #tpu.memory_space<vmem>>)
      %dma_wait3A_370 = arith.constant 0 : i32
      %dma_wait3A_371 = tpu.memref_slice %arg8[%dma_wait3A_370, %mul3A_365] : memref<3x1024xi32, #tpu.memory_space<vmem>> -> memref<1x8xi32, #tpu.memory_space<vmem>>
      %dma_wait3A_372 = tpu.memref_squeeze %dma_wait3A_371 : memref<1x8xi32, #tpu.memory_space<vmem>> -> memref<8xi32, #tpu.memory_space<vmem>>
      %dma_wait3A_373 = arith.constant 0 : i32
      %dma_wait3A_374 = arith.constant 0 : i32
      %dma_wait3A_375 = tpu.memref_slice %arg4[%dma_wait3A_373, %dma_wait3A_374] : memref<512x1024xf32, #tpu.memory_space<hbm>> -> memref<512x1024xf32, #tpu.memory_space<hbm>>
      tpu.wait_indirect_dma semaphore(%arg23 : memref<!tpu.dma_semaphore, #tpu.memory_space<semaphore_mem>>) src(%dma_wait3A_375 : memref<512x1024xf32, #tpu.memory_space<hbm>>) dst(%arg14 : memref<8x1024xf32, #tpu.memory_space<vmem>>)
      %dma_wait3A_376 = arith.constant 1 : i32
      %dma_wait3A_377 = tpu.memref_slice %arg8[%dma_wait3A_376, %mul3A_365] : memref<3x1024xi32, #tpu.memory_space<vmem>> -> memref<1x8xi32, #tpu.memory_space<vmem>>
      %dma_wait3A_378 = tpu.memref_squeeze %dma_wait3A_377 : memref<1x8xi32, #tpu.memory_space<vmem>> -> memref<8xi32, #tpu.memory_space<vmem>>
      %dma_wait3A_379 = arith.constant 0 : i32
      %dma_wait3A_380 = arith.constant 0 : i32
      %dma_wait3A_381 = tpu.memref_slice %arg5[%dma_wait3A_379, %dma_wait3A_380] : memref<512x1024xf32, #tpu.memory_space<hbm>> -> memref<512x1024xf32, #tpu.memory_space<hbm>>
      tpu.wait_indirect_dma semaphore(%arg23 : memref<!tpu.dma_semaphore, #tpu.memory_space<semaphore_mem>>) src(%dma_wait3A_381 : memref<512x1024xf32, #tpu.memory_space<hbm>>) dst(%arg17 : memref<8x1024xf32, #tpu.memory_space<vmem>>)
      %dma_wait3A_382 = arith.constant 2 : i32
      %dma_wait3A_383 = tpu.memref_slice %arg8[%dma_wait3A_382, %mul3A_365] : memref<3x1024xi32, #tpu.memory_space<vmem>> -> memref<1x8xi32, #tpu.memory_space<vmem>>
      %dma_wait3A_384 = tpu.memref_squeeze %dma_wait3A_383 : memref<1x8xi32, #tpu.memory_space<vmem>> -> memref<8xi32, #tpu.memory_space<vmem>>
      %dma_wait3A_385 = arith.constant 0 : i32
      %dma_wait3A_386 = arith.constant 0 : i32
      %dma_wait3A_387 = tpu.memref_slice %arg6[%dma_wait3A_385, %dma_wait3A_386] : memref<8192x1024xf32, #tpu.memory_space<hbm>> -> memref<8192x1024xf32, #tpu.memory_space<hbm>>
      tpu.wait_indirect_dma semaphore(%arg23 : memref<!tpu.dma_semaphore, #tpu.memory_space<semaphore_mem>>) src(%dma_wait3A_387 : memref<8192x1024xf32, #tpu.memory_space<hbm>>) dst(%arg20 : memref<8x1024xf32, #tpu.memory_space<vmem>>)
      %scan3A_388 = arith.constant 0 : i32
      %scan3A_389 = arith.constant 0 : i32
      %scan3A_390 = arith.constant 64 : i32
      %scan3A_391 = arith.addi %scan3A_389, %scan3A_390 : i32
      %scan3A_392 = arith.constant 1 : i32
      %scan3A_393 = scf.for %scan3A_403 = %scan3A_389 to %scan3A_391 step %scan3A_392 iter_args(%scan3A_404 = %scan3A_388) -> (i32)  : i32 {
        %mul3A_405 = arith.constant 16 : i32
        %mul3A_406 = arith.muli %scan3A_403, %mul3A_405 : i32
        %get3A = arith.constant 0 : i32
        %get3A_407 = arith.index_cast %get3A : i32 to index
        %get3A_408 = arith.index_cast %mul3A_406 : i32 to index
        %get3A_409 = tpu.vector_load %arg14[%get3A_407, %get3A_408] {strides = array<i32>} : memref<8x1024xf32, #tpu.memory_space<vmem>>, vector<1x16xf32>,
        %get3A_410 = vector.shape_cast %get3A_409 : vector<1x16xf32> to vector<16xf32>
        %get3A_411 = arith.constant 0 : i32
        %get3A_412 = arith.index_cast %get3A_411 : i32 to index
        %get3A_413 = arith.index_cast %mul3A_406 : i32 to index
        %get3A_414 = tpu.vector_load %arg17[%get3A_412, %get3A_413] {strides = array<i32>} : memref<8x1024xf32, #tpu.memory_space<vmem>>, vector<1x16xf32>,
        %get3A_415 = vector.shape_cast %get3A_414 : vector<1x16xf32> to vector<16xf32>
        %add3A_416 = arith.addf %get3A_410, %get3A_415 : vector<16xf32>
        %get3A_417 = arith.constant 0 : i32
        %get3A_418 = arith.index_cast %get3A_417 : i32 to index
        %get3A_419 = arith.index_cast %mul3A_406 : i32 to index
        %get3A_420 = tpu.vector_load %arg20[%get3A_418, %get3A_419] {strides = array<i32>} : memref<8x1024xf32, #tpu.memory_space<vmem>>, vector<1x16xf32>,
        %get3A_421 = vector.shape_cast %get3A_420 : vector<1x16xf32> to vector<16xf32>
        %add3A_422 = arith.addf %add3A_416, %get3A_421 : vector<16xf32>
        %swap3A = arith.constant 0 : i32
        %swap3A_423 = arith.index_cast %swap3A : i32 to index
        %swap3A_424 = arith.index_cast %mul3A_406 : i32 to index
        %swap3A_425 = tpu.vector_load %arg11[%swap3A_423, %swap3A_424] {strides = array<i32>} : memref<8x1024xf32, #tpu.memory_space<vmem>>, vector<1x16xf32>,
        %swap3A_426 = vector.shape_cast %swap3A_425 : vector<1x16xf32> to vector<16xf32>
        %swap3A_427 = vector.shape_cast %add3A_422 : vector<16xf32> to vector<1x16xf32>
        tpu.vector_store %arg11[%swap3A_423, %swap3A_424], %swap3A_427 {add = true, strides = array<i32>} : memref<8x1024xf32, #tpu.memory_space<vmem>>, vector<1x16xf32>,
        %get3A_428 = arith.constant 1 : i32
        %get3A_429 = arith.index_cast %get3A_428 : i32 to index
        %get3A_430 = arith.index_cast %mul3A_406 : i32 to index
        %get3A_431 = tpu.vector_load %arg14[%get3A_429, %get3A_430] {strides = array<i32>} : memref<8x1024xf32, #tpu.memory_space<vmem>>, vector<1x16xf32>,
        %get3A_432 = vector.shape_cast %get3A_431 : vector<1x16xf32> to vector<16xf32>
        %get3A_433 = arith.constant 1 : i32
        %get3A_434 = arith.index_cast %get3A_433 : i32 to index
        %get3A_435 = arith.index_cast %mul3A_406 : i32 to index
        %get3A_436 = tpu.vector_load %arg17[%get3A_434, %get3A_435] {strides = array<i32>} : memref<8x1024xf32, #tpu.memory_space<vmem>>, vector<1x16xf32>,
        %get3A_437 = vector.shape_cast %get3A_436 : vector<1x16xf32> to vector<16xf32>
        %add3A_438 = arith.addf %get3A_432, %get3A_437 : vector<16xf32>
        %get3A_439 = arith.constant 1 : i32
        %get3A_440 = arith.index_cast %get3A_439 : i32 to index
        %get3A_441 = arith.index_cast %mul3A_406 : i32 to index
        %get3A_442 = tpu.vector_load %arg20[%get3A_440, %get3A_441] {strides = array<i32>} : memref<8x1024xf32, #tpu.memory_space<vmem>>, vector<1x16xf32>,
        %get3A_443 = vector.shape_cast %get3A_442 : vector<1x16xf32> to vector<16xf32>
        %add3A_444 = arith.addf %add3A_438, %get3A_443 : vector<16xf32>
        %swap3A_445 = arith.constant 1 : i32
        %swap3A_446 = arith.index_cast %swap3A_445 : i32 to index
        %swap3A_447 = arith.index_cast %mul3A_406 : i32 to index
        %swap3A_448 = tpu.vector_load %arg11[%swap3A_446, %swap3A_447] {strides = array<i32>} : memref<8x1024xf32, #tpu.memory_space<vmem>>, vector<1x16xf32>,
        %swap3A_449 = vector.shape_cast %swap3A_448 : vector<1x16xf32> to vector<16xf32>
        %swap3A_450 = vector.shape_cast %add3A_444 : vector<16xf32> to vector<1x16xf32>
        tpu.vector_store %arg11[%swap3A_446, %swap3A_447], %swap3A_450 {add = true, strides = array<i32>} : memref<8x1024xf32, #tpu.memory_space<vmem>>, vector<1x16xf32>,
        %get3A_451 = arith.constant 2 : i32
        %get3A_452 = arith.index_cast %get3A_451 : i32 to index
        %get3A_453 = arith.index_cast %mul3A_406 : i32 to index
        %get3A_454 = tpu.vector_load %arg14[%get3A_452, %get3A_453] {strides = array<i32>} : memref<8x1024xf32, #tpu.memory_space<vmem>>, vector<1x16xf32>,
        %get3A_455 = vector.shape_cast %get3A_454 : vector<1x16xf32> to vector<16xf32>
        %get3A_456 = arith.constant 2 : i32
        %get3A_457 = arith.index_cast %get3A_456 : i32 to index
        %get3A_458 = arith.index_cast %mul3A_406 : i32 to index
        %get3A_459 = tpu.vector_load %arg17[%get3A_457, %get3A_458] {strides = array<i32>} : memref<8x1024xf32, #tpu.memory_space<vmem>>, vector<1x16xf32>,
        %get3A_460 = vector.shape_cast %get3A_459 : vector<1x16xf32> to vector<16xf32>
        %add3A_461 = arith.addf %get3A_455, %get3A_460 : vector<16xf32>
        %get3A_462 = arith.constant 2 : i32
        %get3A_463 = arith.index_cast %get3A_462 : i32 to index
        %get3A_464 = arith.index_cast %mul3A_406 : i32 to index
        %get3A_465 = tpu.vector_load %arg20[%get3A_463, %get3A_464] {strides = array<i32>} : memref<8x1024xf32, #tpu.memory_space<vmem>>, vector<1x16xf32>,
        %get3A_466 = vector.shape_cast %get3A_465 : vector<1x16xf32> to vector<16xf32>
        %add3A_467 = arith.addf %add3A_461, %get3A_466 : vector<16xf32>
        %swap3A_468 = arith.constant 2 : i32
        %swap3A_469 = arith.index_cast %swap3A_468 : i32 to index
        %swap3A_470 = arith.index_cast %mul3A_406 : i32 to index
        %swap3A_471 = tpu.vector_load %arg11[%swap3A_469, %swap3A_470] {strides = array<i32>} : memref<8x1024xf32, #tpu.memory_space<vmem>>, vector<1x16xf32>,
        %swap3A_472 = vector.shape_cast %swap3A_471 : vector<1x16xf32> to vector<16xf32>
        %swap3A_473 = vector.shape_cast %add3A_467 : vector<16xf32> to vector<1x16xf32>
        tpu.vector_store %arg11[%swap3A_469, %swap3A_470], %swap3A_473 {add = true, strides = array<i32>} : memref<8x1024xf32, #tpu.memory_space<vmem>>, vector<1x16xf32>,
        %get3A_474 = arith.constant 3 : i32
        %get3A_475 = arith.index_cast %get3A_474 : i32 to index
        %get3A_476 = arith.index_cast %mul3A_406 : i32 to index
        %get3A_477 = tpu.vector_load %arg14[%get3A_475, %get3A_476] {strides = array<i32>} : memref<8x1024xf32, #tpu.memory_space<vmem>>, vector<1x16xf32>,
        %get3A_478 = vector.shape_cast %get3A_477 : vector<1x16xf32> to vector<16xf32>
        %get3A_479 = arith.constant 3 : i32
        %get3A_480 = arith.index_cast %get3A_479 : i32 to index
        %get3A_481 = arith.index_cast %mul3A_406 : i32 to index
        %get3A_482 = tpu.vector_load %arg17[%get3A_480, %get3A_481] {strides = array<i32>} : memref<8x1024xf32, #tpu.memory_space<vmem>>, vector<1x16xf32>,
        %get3A_483 = vector.shape_cast %get3A_482 : vector<1x16xf32> to vector<16xf32>
        %add3A_484 = arith.addf %get3A_478, %get3A_483 : vector<16xf32>
        %get3A_485 = arith.constant 3 : i32
        %get3A_486 = arith.index_cast %get3A_485 : i32 to index
        %get3A_487 = arith.index_cast %mul3A_406 : i32 to index
        %get3A_488 = tpu.vector_load %arg20[%get3A_486, %get3A_487] {strides = array<i32>} : memref<8x1024xf32, #tpu.memory_space<vmem>>, vector<1x16xf32>,
        %get3A_489 = vector.shape_cast %get3A_488 : vector<1x16xf32> to vector<16xf32>
        %add3A_490 = arith.addf %add3A_484, %get3A_489 : vector<16xf32>
        %swap3A_491 = arith.constant 3 : i32
        %swap3A_492 = arith.index_cast %swap3A_491 : i32 to index
        %swap3A_493 = arith.index_cast %mul3A_406 : i32 to index
        %swap3A_494 = tpu.vector_load %arg11[%swap3A_492, %swap3A_493] {strides = array<i32>} : memref<8x1024xf32, #tpu.memory_space<vmem>>, vector<1x16xf32>,
        %swap3A_495 = vector.shape_cast %swap3A_494 : vector<1x16xf32> to vector<16xf32>
        %swap3A_496 = vector.shape_cast %add3A_490 : vector<16xf32> to vector<1x16xf32>
        tpu.vector_store %arg11[%swap3A_492, %swap3A_493], %swap3A_496 {add = true, strides = array<i32>} : memref<8x1024xf32, #tpu.memory_space<vmem>>, vector<1x16xf32>,
        %get3A_497 = arith.constant 4 : i32
        %get3A_498 = arith.index_cast %get3A_497 : i32 to index
        %get3A_499 = arith.index_cast %mul3A_406 : i32 to index
        %get3A_500 = tpu.vector_load %arg14[%get3A_498, %get3A_499] {strides = array<i32>} : memref<8x1024xf32, #tpu.memory_space<vmem>>, vector<1x16xf32>,
        %get3A_501 = vector.shape_cast %get3A_500 : vector<1x16xf32> to vector<16xf32>
        %get3A_502 = arith.constant 4 : i32
        %get3A_503 = arith.index_cast %get3A_502 : i32 to index
        %get3A_504 = arith.index_cast %mul3A_406 : i32 to index
        %get3A_505 = tpu.vector_load %arg17[%get3A_503, %get3A_504] {strides = array<i32>} : memref<8x1024xf32, #tpu.memory_space<vmem>>, vector<1x16xf32>,
        %get3A_506 = vector.shape_cast %get3A_505 : vector<1x16xf32> to vector<16xf32>
        %add3A_507 = arith.addf %get3A_501, %get3A_506 : vector<16xf32>
        %get3A_508 = arith.constant 4 : i32
        %get3A_509 = arith.index_cast %get3A_508 : i32 to index
        %get3A_510 = arith.index_cast %mul3A_406 : i32 to index
        %get3A_511 = tpu.vector_load %arg20[%get3A_509, %get3A_510] {strides = array<i32>} : memref<8x1024xf32, #tpu.memory_space<vmem>>, vector<1x16xf32>,
        %get3A_512 = vector.shape_cast %get3A_511 : vector<1x16xf32> to vector<16xf32>
        %add3A_513 = arith.addf %add3A_507, %get3A_512 : vector<16xf32>
        %swap3A_514 = arith.constant 4 : i32
        %swap3A_515 = arith.index_cast %swap3A_514 : i32 to index
        %swap3A_516 = arith.index_cast %mul3A_406 : i32 to index
        %swap3A_517 = tpu.vector_load %arg11[%swap3A_515, %swap3A_516] {strides = array<i32>} : memref<8x1024xf32, #tpu.memory_space<vmem>>, vector<1x16xf32>,
        %swap3A_518 = vector.shape_cast %swap3A_517 : vector<1x16xf32> to vector<16xf32>
        %swap3A_519 = vector.shape_cast %add3A_513 : vector<16xf32> to vector<1x16xf32>
        tpu.vector_store %arg11[%swap3A_515, %swap3A_516], %swap3A_519 {add = true, strides = array<i32>} : memref<8x1024xf32, #tpu.memory_space<vmem>>, vector<1x16xf32>,
        %get3A_520 = arith.constant 5 : i32
        %get3A_521 = arith.index_cast %get3A_520 : i32 to index
        %get3A_522 = arith.index_cast %mul3A_406 : i32 to index
        %get3A_523 = tpu.vector_load %arg14[%get3A_521, %get3A_522] {strides = array<i32>} : memref<8x1024xf32, #tpu.memory_space<vmem>>, vector<1x16xf32>,
        %get3A_524 = vector.shape_cast %get3A_523 : vector<1x16xf32> to vector<16xf32>
        %get3A_525 = arith.constant 5 : i32
        %get3A_526 = arith.index_cast %get3A_525 : i32 to index
        %get3A_527 = arith.index_cast %mul3A_406 : i32 to index
        %get3A_528 = tpu.vector_load %arg17[%get3A_526, %get3A_527] {strides = array<i32>} : memref<8x1024xf32, #tpu.memory_space<vmem>>, vector<1x16xf32>,
        %get3A_529 = vector.shape_cast %get3A_528 : vector<1x16xf32> to vector<16xf32>
        %add3A_530 = arith.addf %get3A_524, %get3A_529 : vector<16xf32>
        %get3A_531 = arith.constant 5 : i32
        %get3A_532 = arith.index_cast %get3A_531 : i32 to index
        %get3A_533 = arith.index_cast %mul3A_406 : i32 to index
        %get3A_534 = tpu.vector_load %arg20[%get3A_532, %get3A_533] {strides = array<i32>} : memref<8x1024xf32, #tpu.memory_space<vmem>>, vector<1x16xf32>,
        %get3A_535 = vector.shape_cast %get3A_534 : vector<1x16xf32> to vector<16xf32>
        %add3A_536 = arith.addf %add3A_530, %get3A_535 : vector<16xf32>
        %swap3A_537 = arith.constant 5 : i32
        %swap3A_538 = arith.index_cast %swap3A_537 : i32 to index
        %swap3A_539 = arith.index_cast %mul3A_406 : i32 to index
        %swap3A_540 = tpu.vector_load %arg11[%swap3A_538, %swap3A_539] {strides = array<i32>} : memref<8x1024xf32, #tpu.memory_space<vmem>>, vector<1x16xf32>,
        %swap3A_541 = vector.shape_cast %swap3A_540 : vector<1x16xf32> to vector<16xf32>
        %swap3A_542 = vector.shape_cast %add3A_536 : vector<16xf32> to vector<1x16xf32>
        tpu.vector_store %arg11[%swap3A_538, %swap3A_539], %swap3A_542 {add = true, strides = array<i32>} : memref<8x1024xf32, #tpu.memory_space<vmem>>, vector<1x16xf32>,
        %get3A_543 = arith.constant 6 : i32
        %get3A_544 = arith.index_cast %get3A_543 : i32 to index
        %get3A_545 = arith.index_cast %mul3A_406 : i32 to index
        %get3A_546 = tpu.vector_load %arg14[%get3A_544, %get3A_545] {strides = array<i32>} : memref<8x1024xf32, #tpu.memory_space<vmem>>, vector<1x16xf32>,
        %get3A_547 = vector.shape_cast %get3A_546 : vector<1x16xf32> to vector<16xf32>
        %get3A_548 = arith.constant 6 : i32
        %get3A_549 = arith.index_cast %get3A_548 : i32 to index
        %get3A_550 = arith.index_cast %mul3A_406 : i32 to index
        %get3A_551 = tpu.vector_load %arg17[%get3A_549, %get3A_550] {strides = array<i32>} : memref<8x1024xf32, #tpu.memory_space<vmem>>, vector<1x16xf32>,
        %get3A_552 = vector.shape_cast %get3A_551 : vector<1x16xf32> to vector<16xf32>
        %add3A_553 = arith.addf %get3A_547, %get3A_552 : vector<16xf32>
        %get3A_554 = arith.constant 6 : i32
        %get3A_555 = arith.index_cast %get3A_554 : i32 to index
        %get3A_556 = arith.index_cast %mul3A_406 : i32 to index
        %get3A_557 = tpu.vector_load %arg20[%get3A_555, %get3A_556] {strides = array<i32>} : memref<8x1024xf32, #tpu.memory_space<vmem>>, vector<1x16xf32>,
        %get3A_558 = vector.shape_cast %get3A_557 : vector<1x16xf32> to vector<16xf32>
        %add3A_559 = arith.addf %add3A_553, %get3A_558 : vector<16xf32>
        %swap3A_560 = arith.constant 6 : i32
        %swap3A_561 = arith.index_cast %swap3A_560 : i32 to index
        %swap3A_562 = arith.index_cast %mul3A_406 : i32 to index
        %swap3A_563 = tpu.vector_load %arg11[%swap3A_561, %swap3A_562] {strides = array<i32>} : memref<8x1024xf32, #tpu.memory_space<vmem>>, vector<1x16xf32>,
        %swap3A_564 = vector.shape_cast %swap3A_563 : vector<1x16xf32> to vector<16xf32>
        %swap3A_565 = vector.shape_cast %add3A_559 : vector<16xf32> to vector<1x16xf32>
        tpu.vector_store %arg11[%swap3A_561, %swap3A_562], %swap3A_565 {add = true, strides = array<i32>} : memref<8x1024xf32, #tpu.memory_space<vmem>>, vector<1x16xf32>,
        %get3A_566 = arith.constant 7 : i32
        %get3A_567 = arith.index_cast %get3A_566 : i32 to index
        %get3A_568 = arith.index_cast %mul3A_406 : i32 to index
        %get3A_569 = tpu.vector_load %arg14[%get3A_567, %get3A_568] {strides = array<i32>} : memref<8x1024xf32, #tpu.memory_space<vmem>>, vector<1x16xf32>,
        %get3A_570 = vector.shape_cast %get3A_569 : vector<1x16xf32> to vector<16xf32>
        %get3A_571 = arith.constant 7 : i32
        %get3A_572 = arith.index_cast %get3A_571 : i32 to index
        %get3A_573 = arith.index_cast %mul3A_406 : i32 to index
        %get3A_574 = tpu.vector_load %arg17[%get3A_572, %get3A_573] {strides = array<i32>} : memref<8x1024xf32, #tpu.memory_space<vmem>>, vector<1x16xf32>,
        %get3A_575 = vector.shape_cast %get3A_574 : vector<1x16xf32> to vector<16xf32>
        %add3A_576 = arith.addf %get3A_570, %get3A_575 : vector<16xf32>
        %get3A_577 = arith.constant 7 : i32
        %get3A_578 = arith.index_cast %get3A_577 : i32 to index
        %get3A_579 = arith.index_cast %mul3A_406 : i32 to index
        %get3A_580 = tpu.vector_load %arg20[%get3A_578, %get3A_579] {strides = array<i32>} : memref<8x1024xf32, #tpu.memory_space<vmem>>, vector<1x16xf32>,
        %get3A_581 = vector.shape_cast %get3A_580 : vector<1x16xf32> to vector<16xf32>
        %add3A_582 = arith.addf %add3A_576, %get3A_581 : vector<16xf32>
        %swap3A_583 = arith.constant 7 : i32
        %swap3A_584 = arith.index_cast %swap3A_583 : i32 to index
        %swap3A_585 = arith.index_cast %mul3A_406 : i32 to index
        %swap3A_586 = tpu.vector_load %arg11[%swap3A_584, %swap3A_585] {strides = array<i32>} : memref<8x1024xf32, #tpu.memory_space<vmem>>, vector<1x16xf32>,
        %swap3A_587 = vector.shape_cast %swap3A_586 : vector<1x16xf32> to vector<16xf32>
        %swap3A_588 = vector.shape_cast %add3A_582 : vector<16xf32> to vector<1x16xf32>
        tpu.vector_store %arg11[%swap3A_584, %swap3A_585], %swap3A_588 {add = true, strides = array<i32>} : memref<8x1024xf32, #tpu.memory_space<vmem>>, vector<1x16xf32>,
        %scan3A_589 = arith.constant 0 : i32
        scf.yield %scan3A_589 : i32
      }
      %scan3A_394 = arith.constant 64 : i32
      %mul3A_395 = arith.constant 8 : i32
      %mul3A_396 = arith.muli %add3A_322, %mul3A_395 : i32
      %add3A_397 = arith.addi %mul3A_2, %mul3A_396 : i32
      %dma_start3A_398 = arith.constant 0 : i32
      %dma_start3A_399 = tpu.memref_slice %arg7[%add3A_397, %dma_start3A_398] : memref<32768x1024xf32, #tpu.memory_space<hbm>> -> memref<8x1024xf32, #tpu.memory_space<hbm>>
      %dma_start3A_400 = arith.constant 0 : i32
      %dma_start3A_401 = tpu.memref_slice %arg7[%add3A_397, %dma_start3A_400] : memref<32768x1024xf32, #tpu.memory_space<hbm>> -> memref<8x1024xf32, #tpu.memory_space<hbm>>
      tpu.enqueue_dma source(%arg11 : memref<8x1024xf32, #tpu.memory_space<vmem>>) target(%dma_start3A_401 : memref<8x1024xf32, #tpu.memory_space<hbm>>) target_semaphore(%arg26 : memref<!tpu.dma_semaphore, #tpu.memory_space<semaphore_mem>>)
      %scan3A_402 = arith.constant 0 : i32
      scf.yield %scan3A_402 : i32
    }
    %scan3A_61 = arith.constant 42 : i32
    %add3A_62 = arith.constant 1008 : i32
    %add3A_63 = arith.addi %mul3A_2, %add3A_62 : i32
    %dma_wait3A = arith.constant 0 : i32
    %dma_wait3A_64 = tpu.memref_slice %arg2[%add3A_63, %dma_wait3A] : memref<32768x1024xf32, #tpu.memory_space<hbm>> -> memref<8x1024xf32, #tpu.memory_space<hbm>>
    %dma_wait3A_65 = arith.constant 0 : i32
    %dma_wait3A_66 = tpu.memref_slice %arg2[%add3A_63, %dma_wait3A_65] : memref<32768x1024xf32, #tpu.memory_space<hbm>> -> memref<8x1024xf32, #tpu.memory_space<hbm>>
    tpu.wait_dma2 semaphore(%arg21 : memref<!tpu.dma_semaphore, #tpu.memory_space<semaphore_mem>>) src(%dma_wait3A_66 : memref<8x1024xf32, #tpu.memory_space<hbm>>) dst(%arg9 : memref<8x1024xf32, #tpu.memory_space<vmem>>)
    %dma_wait3A_67 = arith.constant 0 : i32
    %dma_wait3A_68 = arith.constant 1008 : i32
    %dma_wait3A_69 = tpu.memref_slice %arg8[%dma_wait3A_67, %dma_wait3A_68] : memref<3x1024xi32, #tpu.memory_space<vmem>> -> memref<1x8xi32, #tpu.memory_space<vmem>>
    %dma_wait3A_70 = tpu.memref_squeeze %dma_wait3A_69 : memref<1x8xi32, #tpu.memory_space<vmem>> -> memref<8xi32, #tpu.memory_space<vmem>>
    %dma_wait3A_71 = arith.constant 0 : i32
    %dma_wait3A_72 = arith.constant 0 : i32
    %dma_wait3A_73 = tpu.memref_slice %arg4[%dma_wait3A_71, %dma_wait3A_72] : memref<512x1024xf32, #tpu.memory_space<hbm>> -> memref<512x1024xf32, #tpu.memory_space<hbm>>
    tpu.wait_indirect_dma semaphore(%arg21 : memref<!tpu.dma_semaphore, #tpu.memory_space<semaphore_mem>>) src(%dma_wait3A_73 : memref<512x1024xf32, #tpu.memory_space<hbm>>) dst(%arg12 : memref<8x1024xf32, #tpu.memory_space<vmem>>)
    %dma_wait3A_74 = arith.constant 1 : i32
    %dma_wait3A_75 = arith.constant 1008 : i32
    %dma_wait3A_76 = tpu.memref_slice %arg8[%dma_wait3A_74, %dma_wait3A_75] : memref<3x1024xi32, #tpu.memory_space<vmem>> -> memref<1x8xi32, #tpu.memory_space<vmem>>
    %dma_wait3A_77 = tpu.memref_squeeze %dma_wait3A_76 : memref<1x8xi32, #tpu.memory_space<vmem>> -> memref<8xi32, #tpu.memory_space<vmem>>
    %dma_wait3A_78 = arith.constant 0 : i32
    %dma_wait3A_79 = arith.constant 0 : i32
    %dma_wait3A_80 = tpu.memref_slice %arg5[%dma_wait3A_78, %dma_wait3A_79] : memref<512x1024xf32, #tpu.memory_space<hbm>> -> memref<512x1024xf32, #tpu.memory_space<hbm>>
    tpu.wait_indirect_dma semaphore(%arg21 : memref<!tpu.dma_semaphore, #tpu.memory_space<semaphore_mem>>) src(%dma_wait3A_80 : memref<512x1024xf32, #tpu.memory_space<hbm>>) dst(%arg15 : memref<8x1024xf32, #tpu.memory_space<vmem>>)
    %dma_wait3A_81 = arith.constant 2 : i32
    %dma_wait3A_82 = arith.constant 1008 : i32
    %dma_wait3A_83 = tpu.memref_slice %arg8[%dma_wait3A_81, %dma_wait3A_82] : memref<3x1024xi32, #tpu.memory_space<vmem>> -> memref<1x8xi32, #tpu.memory_space<vmem>>
    %dma_wait3A_84 = tpu.memref_squeeze %dma_wait3A_83 : memref<1x8xi32, #tpu.memory_space<vmem>> -> memref<8xi32, #tpu.memory_space<vmem>>
    %dma_wait3A_85 = arith.constant 0 : i32
    %dma_wait3A_86 = arith.constant 0 : i32
    %dma_wait3A_87 = tpu.memref_slice %arg6[%dma_wait3A_85, %dma_wait3A_86] : memref<8192x1024xf32, #tpu.memory_space<hbm>> -> memref<8192x1024xf32, #tpu.memory_space<hbm>>
    tpu.wait_indirect_dma semaphore(%arg21 : memref<!tpu.dma_semaphore, #tpu.memory_space<semaphore_mem>>) src(%dma_wait3A_87 : memref<8192x1024xf32, #tpu.memory_space<hbm>>) dst(%arg18 : memref<8x1024xf32, #tpu.memory_space<vmem>>)
    %scan3A_88 = arith.constant 0 : i32
    %scan3A_89 = arith.constant 0 : i32
    %scan3A_90 = arith.constant 64 : i32
    %scan3A_91 = arith.addi %scan3A_89, %scan3A_90 : i32
    %scan3A_92 = arith.constant 1 : i32
    %scan3A_93 = scf.for %scan3A_159 = %scan3A_89 to %scan3A_91 step %scan3A_92 iter_args(%scan3A_160 = %scan3A_88) -> (i32)  : i32 {
      %mul3A_161 = arith.constant 16 : i32
      %mul3A_162 = arith.muli %scan3A_159, %mul3A_161 : i32
      %get3A = arith.constant 0 : i32
      %get3A_163 = arith.index_cast %get3A : i32 to index
      %get3A_164 = arith.index_cast %mul3A_162 : i32 to index
      %get3A_165 = tpu.vector_load %arg12[%get3A_163, %get3A_164] {strides = array<i32>} : memref<8x1024xf32, #tpu.memory_space<vmem>>, vector<1x16xf32>,
      %get3A_166 = vector.shape_cast %get3A_165 : vector<1x16xf32> to vector<16xf32>
      %get3A_167 = arith.constant 0 : i32
      %get3A_168 = arith.index_cast %get3A_167 : i32 to index
      %get3A_169 = arith.index_cast %mul3A_162 : i32 to index
      %get3A_170 = tpu.vector_load %arg15[%get3A_168, %get3A_169] {strides = array<i32>} : memref<8x1024xf32, #tpu.memory_space<vmem>>, vector<1x16xf32>,
      %get3A_171 = vector.shape_cast %get3A_170 : vector<1x16xf32> to vector<16xf32>
      %add3A_172 = arith.addf %get3A_166, %get3A_171 : vector<16xf32>
      %get3A_173 = arith.constant 0 : i32
      %get3A_174 = arith.index_cast %get3A_173 : i32 to index
      %get3A_175 = arith.index_cast %mul3A_162 : i32 to index
      %get3A_176 = tpu.vector_load %arg18[%get3A_174, %get3A_175] {strides = array<i32>} : memref<8x1024xf32, #tpu.memory_space<vmem>>, vector<1x16xf32>,
      %get3A_177 = vector.shape_cast %get3A_176 : vector<1x16xf32> to vector<16xf32>
      %add3A_178 = arith.addf %add3A_172, %get3A_177 : vector<16xf32>
      %swap3A = arith.constant 0 : i32
      %swap3A_179 = arith.index_cast %swap3A : i32 to index
      %swap3A_180 = arith.index_cast %mul3A_162 : i32 to index
      %swap3A_181 = tpu.vector_load %arg9[%swap3A_179, %swap3A_180] {strides = array<i32>} : memref<8x1024xf32, #tpu.memory_space<vmem>>, vector<1x16xf32>,
      %swap3A_182 = vector.shape_cast %swap3A_181 : vector<1x16xf32> to vector<16xf32>
      %swap3A_183 = vector.shape_cast %add3A_178 : vector<16xf32> to vector<1x16xf32>
      tpu.vector_store %arg9[%swap3A_179, %swap3A_180], %swap3A_183 {add = true, strides = array<i32>} : memref<8x1024xf32, #tpu.memory_space<vmem>>, vector<1x16xf32>,
      %get3A_184 = arith.constant 1 : i32
      %get3A_185 = arith.index_cast %get3A_184 : i32 to index
      %get3A_186 = arith.index_cast %mul3A_162 : i32 to index
      %get3A_187 = tpu.vector_load %arg12[%get3A_185, %get3A_186] {strides = array<i32>} : memref<8x1024xf32, #tpu.memory_space<vmem>>, vector<1x16xf32>,
      %get3A_188 = vector.shape_cast %get3A_187 : vector<1x16xf32> to vector<16xf32>
      %get3A_189 = arith.constant 1 : i32
      %get3A_190 = arith.index_cast %get3A_189 : i32 to index
      %get3A_191 = arith.index_cast %mul3A_162 : i32 to index
      %get3A_192 = tpu.vector_load %arg15[%get3A_190, %get3A_191] {strides = array<i32>} : memref<8x1024xf32, #tpu.memory_space<vmem>>, vector<1x16xf32>,
      %get3A_193 = vector.shape_cast %get3A_192 : vector<1x16xf32> to vector<16xf32>
      %add3A_194 = arith.addf %get3A_188, %get3A_193 : vector<16xf32>
      %get3A_195 = arith.constant 1 : i32
      %get3A_196 = arith.index_cast %get3A_195 : i32 to index
      %get3A_197 = arith.index_cast %mul3A_162 : i32 to index
      %get3A_198 = tpu.vector_load %arg18[%get3A_196, %get3A_197] {strides = array<i32>} : memref<8x1024xf32, #tpu.memory_space<vmem>>, vector<1x16xf32>,
      %get3A_199 = vector.shape_cast %get3A_198 : vector<1x16xf32> to vector<16xf32>
      %add3A_200 = arith.addf %add3A_194, %get3A_199 : vector<16xf32>
      %swap3A_201 = arith.constant 1 : i32
      %swap3A_202 = arith.index_cast %swap3A_201 : i32 to index
      %swap3A_203 = arith.index_cast %mul3A_162 : i32 to index
      %swap3A_204 = tpu.vector_load %arg9[%swap3A_202, %swap3A_203] {strides = array<i32>} : memref<8x1024xf32, #tpu.memory_space<vmem>>, vector<1x16xf32>,
      %swap3A_205 = vector.shape_cast %swap3A_204 : vector<1x16xf32> to vector<16xf32>
      %swap3A_206 = vector.shape_cast %add3A_200 : vector<16xf32> to vector<1x16xf32>
      tpu.vector_store %arg9[%swap3A_202, %swap3A_203], %swap3A_206 {add = true, strides = array<i32>} : memref<8x1024xf32, #tpu.memory_space<vmem>>, vector<1x16xf32>,
      %get3A_207 = arith.constant 2 : i32
      %get3A_208 = arith.index_cast %get3A_207 : i32 to index
      %get3A_209 = arith.index_cast %mul3A_162 : i32 to index
      %get3A_210 = tpu.vector_load %arg12[%get3A_208, %get3A_209] {strides = array<i32>} : memref<8x1024xf32, #tpu.memory_space<vmem>>, vector<1x16xf32>,
      %get3A_211 = vector.shape_cast %get3A_210 : vector<1x16xf32> to vector<16xf32>
      %get3A_212 = arith.constant 2 : i32
      %get3A_213 = arith.index_cast %get3A_212 : i32 to index
      %get3A_214 = arith.index_cast %mul3A_162 : i32 to index
      %get3A_215 = tpu.vector_load %arg15[%get3A_213, %get3A_214] {strides = array<i32>} : memref<8x1024xf32, #tpu.memory_space<vmem>>, vector<1x16xf32>,
      %get3A_216 = vector.shape_cast %get3A_215 : vector<1x16xf32> to vector<16xf32>
      %add3A_217 = arith.addf %get3A_211, %get3A_216 : vector<16xf32>
      %get3A_218 = arith.constant 2 : i32
      %get3A_219 = arith.index_cast %get3A_218 : i32 to index
      %get3A_220 = arith.index_cast %mul3A_162 : i32 to index
      %get3A_221 = tpu.vector_load %arg18[%get3A_219, %get3A_220] {strides = array<i32>} : memref<8x1024xf32, #tpu.memory_space<vmem>>, vector<1x16xf32>,
      %get3A_222 = vector.shape_cast %get3A_221 : vector<1x16xf32> to vector<16xf32>
      %add3A_223 = arith.addf %add3A_217, %get3A_222 : vector<16xf32>
      %swap3A_224 = arith.constant 2 : i32
      %swap3A_225 = arith.index_cast %swap3A_224 : i32 to index
      %swap3A_226 = arith.index_cast %mul3A_162 : i32 to index
      %swap3A_227 = tpu.vector_load %arg9[%swap3A_225, %swap3A_226] {strides = array<i32>} : memref<8x1024xf32, #tpu.memory_space<vmem>>, vector<1x16xf32>,
      %swap3A_228 = vector.shape_cast %swap3A_227 : vector<1x16xf32> to vector<16xf32>
      %swap3A_229 = vector.shape_cast %add3A_223 : vector<16xf32> to vector<1x16xf32>
      tpu.vector_store %arg9[%swap3A_225, %swap3A_226], %swap3A_229 {add = true, strides = array<i32>} : memref<8x1024xf32, #tpu.memory_space<vmem>>, vector<1x16xf32>,
      %get3A_230 = arith.constant 3 : i32
      %get3A_231 = arith.index_cast %get3A_230 : i32 to index
      %get3A_232 = arith.index_cast %mul3A_162 : i32 to index
      %get3A_233 = tpu.vector_load %arg12[%get3A_231, %get3A_232] {strides = array<i32>} : memref<8x1024xf32, #tpu.memory_space<vmem>>, vector<1x16xf32>,
      %get3A_234 = vector.shape_cast %get3A_233 : vector<1x16xf32> to vector<16xf32>
      %get3A_235 = arith.constant 3 : i32
      %get3A_236 = arith.index_cast %get3A_235 : i32 to index
      %get3A_237 = arith.index_cast %mul3A_162 : i32 to index
      %get3A_238 = tpu.vector_load %arg15[%get3A_236, %get3A_237] {strides = array<i32>} : memref<8x1024xf32, #tpu.memory_space<vmem>>, vector<1x16xf32>,
      %get3A_239 = vector.shape_cast %get3A_238 : vector<1x16xf32> to vector<16xf32>
      %add3A_240 = arith.addf %get3A_234, %get3A_239 : vector<16xf32>
      %get3A_241 = arith.constant 3 : i32
      %get3A_242 = arith.index_cast %get3A_241 : i32 to index
      %get3A_243 = arith.index_cast %mul3A_162 : i32 to index
      %get3A_244 = tpu.vector_load %arg18[%get3A_242, %get3A_243] {strides = array<i32>} : memref<8x1024xf32, #tpu.memory_space<vmem>>, vector<1x16xf32>,
      %get3A_245 = vector.shape_cast %get3A_244 : vector<1x16xf32> to vector<16xf32>
      %add3A_246 = arith.addf %add3A_240, %get3A_245 : vector<16xf32>
      %swap3A_247 = arith.constant 3 : i32
      %swap3A_248 = arith.index_cast %swap3A_247 : i32 to index
      %swap3A_249 = arith.index_cast %mul3A_162 : i32 to index
      %swap3A_250 = tpu.vector_load %arg9[%swap3A_248, %swap3A_249] {strides = array<i32>} : memref<8x1024xf32, #tpu.memory_space<vmem>>, vector<1x16xf32>,
      %swap3A_251 = vector.shape_cast %swap3A_250 : vector<1x16xf32> to vector<16xf32>
      %swap3A_252 = vector.shape_cast %add3A_246 : vector<16xf32> to vector<1x16xf32>
      tpu.vector_store %arg9[%swap3A_248, %swap3A_249], %swap3A_252 {add = true, strides = array<i32>} : memref<8x1024xf32, #tpu.memory_space<vmem>>, vector<1x16xf32>,
      %get3A_253 = arith.constant 4 : i32
      %get3A_254 = arith.index_cast %get3A_253 : i32 to index
      %get3A_255 = arith.index_cast %mul3A_162 : i32 to index
      %get3A_256 = tpu.vector_load %arg12[%get3A_254, %get3A_255] {strides = array<i32>} : memref<8x1024xf32, #tpu.memory_space<vmem>>, vector<1x16xf32>,
      %get3A_257 = vector.shape_cast %get3A_256 : vector<1x16xf32> to vector<16xf32>
      %get3A_258 = arith.constant 4 : i32
      %get3A_259 = arith.index_cast %get3A_258 : i32 to index
      %get3A_260 = arith.index_cast %mul3A_162 : i32 to index
      %get3A_261 = tpu.vector_load %arg15[%get3A_259, %get3A_260] {strides = array<i32>} : memref<8x1024xf32, #tpu.memory_space<vmem>>, vector<1x16xf32>,
      %get3A_262 = vector.shape_cast %get3A_261 : vector<1x16xf32> to vector<16xf32>
      %add3A_263 = arith.addf %get3A_257, %get3A_262 : vector<16xf32>
      %get3A_264 = arith.constant 4 : i32
      %get3A_265 = arith.index_cast %get3A_264 : i32 to index
      %get3A_266 = arith.index_cast %mul3A_162 : i32 to index
      %get3A_267 = tpu.vector_load %arg18[%get3A_265, %get3A_266] {strides = array<i32>} : memref<8x1024xf32, #tpu.memory_space<vmem>>, vector<1x16xf32>,
      %get3A_268 = vector.shape_cast %get3A_267 : vector<1x16xf32> to vector<16xf32>
      %add3A_269 = arith.addf %add3A_263, %get3A_268 : vector<16xf32>
      %swap3A_270 = arith.constant 4 : i32
      %swap3A_271 = arith.index_cast %swap3A_270 : i32 to index
      %swap3A_272 = arith.index_cast %mul3A_162 : i32 to index
      %swap3A_273 = tpu.vector_load %arg9[%swap3A_271, %swap3A_272] {strides = array<i32>} : memref<8x1024xf32, #tpu.memory_space<vmem>>, vector<1x16xf32>,
      %swap3A_274 = vector.shape_cast %swap3A_273 : vector<1x16xf32> to vector<16xf32>
      %swap3A_275 = vector.shape_cast %add3A_269 : vector<16xf32> to vector<1x16xf32>
      tpu.vector_store %arg9[%swap3A_271, %swap3A_272], %swap3A_275 {add = true, strides = array<i32>} : memref<8x1024xf32, #tpu.memory_space<vmem>>, vector<1x16xf32>,
      %get3A_276 = arith.constant 5 : i32
      %get3A_277 = arith.index_cast %get3A_276 : i32 to index
      %get3A_278 = arith.index_cast %mul3A_162 : i32 to index
      %get3A_279 = tpu.vector_load %arg12[%get3A_277, %get3A_278] {strides = array<i32>} : memref<8x1024xf32, #tpu.memory_space<vmem>>, vector<1x16xf32>,
      %get3A_280 = vector.shape_cast %get3A_279 : vector<1x16xf32> to vector<16xf32>
      %get3A_281 = arith.constant 5 : i32
      %get3A_282 = arith.index_cast %get3A_281 : i32 to index
      %get3A_283 = arith.index_cast %mul3A_162 : i32 to index
      %get3A_284 = tpu.vector_load %arg15[%get3A_282, %get3A_283] {strides = array<i32>} : memref<8x1024xf32, #tpu.memory_space<vmem>>, vector<1x16xf32>,
      %get3A_285 = vector.shape_cast %get3A_284 : vector<1x16xf32> to vector<16xf32>
      %add3A_286 = arith.addf %get3A_280, %get3A_285 : vector<16xf32>
      %get3A_287 = arith.constant 5 : i32
      %get3A_288 = arith.index_cast %get3A_287 : i32 to index
      %get3A_289 = arith.index_cast %mul3A_162 : i32 to index
      %get3A_290 = tpu.vector_load %arg18[%get3A_288, %get3A_289] {strides = array<i32>} : memref<8x1024xf32, #tpu.memory_space<vmem>>, vector<1x16xf32>,
      %get3A_291 = vector.shape_cast %get3A_290 : vector<1x16xf32> to vector<16xf32>
      %add3A_292 = arith.addf %add3A_286, %get3A_291 : vector<16xf32>
      %swap3A_293 = arith.constant 5 : i32
      %swap3A_294 = arith.index_cast %swap3A_293 : i32 to index
      %swap3A_295 = arith.index_cast %mul3A_162 : i32 to index
      %swap3A_296 = tpu.vector_load %arg9[%swap3A_294, %swap3A_295] {strides = array<i32>} : memref<8x1024xf32, #tpu.memory_space<vmem>>, vector<1x16xf32>,
      %swap3A_297 = vector.shape_cast %swap3A_296 : vector<1x16xf32> to vector<16xf32>
      %swap3A_298 = vector.shape_cast %add3A_292 : vector<16xf32> to vector<1x16xf32>
      tpu.vector_store %arg9[%swap3A_294, %swap3A_295], %swap3A_298 {add = true, strides = array<i32>} : memref<8x1024xf32, #tpu.memory_space<vmem>>, vector<1x16xf32>,
      %get3A_299 = arith.constant 6 : i32
      %get3A_300 = arith.index_cast %get3A_299 : i32 to index
      %get3A_301 = arith.index_cast %mul3A_162 : i32 to index
      %get3A_302 = tpu.vector_load %arg12[%get3A_300, %get3A_301] {strides = array<i32>} : memref<8x1024xf32, #tpu.memory_space<vmem>>, vector<1x16xf32>,
      %get3A_303 = vector.shape_cast %get3A_302 : vector<1x16xf32> to vector<16xf32>
      %get3A_304 = arith.constant 6 : i32
      %get3A_305 = arith.index_cast %get3A_304 : i32 to index
      %get3A_306 = arith.index_cast %mul3A_162 : i32 to index
      %get3A_307 = tpu.vector_load %arg15[%get3A_305, %get3A_306] {strides = array<i32>} : memref<8x1024xf32, #tpu.memory_space<vmem>>, vector<1x16xf32>,
      %get3A_308 = vector.shape_cast %get3A_307 : vector<1x16xf32> to vector<16xf32>
      %add3A_309 = arith.addf %get3A_303, %get3A_308 : vector<16xf32>
      %get3A_310 = arith.constant 6 : i32
      %get3A_311 = arith.index_cast %get3A_310 : i32 to index
      %get3A_312 = arith.index_cast %mul3A_162 : i32 to index
      %get3A_313 = tpu.vector_load %arg18[%get3A_311, %get3A_312] {strides = array<i32>} : memref<8x1024xf32, #tpu.memory_space<vmem>>, vector<1x16xf32>,
      %get3A_314 = vector.shape_cast %get3A_313 : vector<1x16xf32> to vector<16xf32>
      %add3A_315 = arith.addf %add3A_309, %get3A_314 : vector<16xf32>
      %swap3A_316 = arith.constant 6 : i32
      %swap3A_317 = arith.index_cast %swap3A_316 : i32 to index
      %swap3A_318 = arith.index_cast %mul3A_162 : i32 to index
      %swap3A_319 = tpu.vector_load %arg9[%swap3A_317, %swap3A_318] {strides = array<i32>} : memref<8x1024xf32, #tpu.memory_space<vmem>>, vector<1x16xf32>,
      %swap3A_320 = vector.shape_cast %swap3A_319 : vector<1x16xf32> to vector<16xf32>
      %swap3A_321 = vector.shape_cast %add3A_315 : vector<16xf32> to vector<1x16xf32>
      tpu.vector_store %arg9[%swap3A_317, %swap3A_318], %swap3A_321 {add = true, strides = array<i32>} : memref<8x1024xf32, #tpu.memory_space<vmem>>, vector<1x16xf32>,
      %get3A_322 = arith.constant 7 : i32
      %get3A_323 = arith.index_cast %get3A_322 : i32 to index
      %get3A_324 = arith.index_cast %mul3A_162 : i32 to index
      %get3A_325 = tpu.vector_load %arg12[%get3A_323, %get3A_324] {strides = array<i32>} : memref<8x1024xf32, #tpu.memory_space<vmem>>, vector<1x16xf32>,
      %get3A_326 = vector.shape_cast %get3A_325 : vector<1x16xf32> to vector<16xf32>
      %get3A_327 = arith.constant 7 : i32
      %get3A_328 = arith.index_cast %get3A_327 : i32 to index
      %get3A_329 = arith.index_cast %mul3A_162 : i32 to index
      %get3A_330 = tpu.vector_load %arg15[%get3A_328, %get3A_329] {strides = array<i32>} : memref<8x1024xf32, #tpu.memory_space<vmem>>, vector<1x16xf32>,
      %get3A_331 = vector.shape_cast %get3A_330 : vector<1x16xf32> to vector<16xf32>
      %add3A_332 = arith.addf %get3A_326, %get3A_331 : vector<16xf32>
      %get3A_333 = arith.constant 7 : i32
      %get3A_334 = arith.index_cast %get3A_333 : i32 to index
      %get3A_335 = arith.index_cast %mul3A_162 : i32 to index
      %get3A_336 = tpu.vector_load %arg18[%get3A_334, %get3A_335] {strides = array<i32>} : memref<8x1024xf32, #tpu.memory_space<vmem>>, vector<1x16xf32>,
      %get3A_337 = vector.shape_cast %get3A_336 : vector<1x16xf32> to vector<16xf32>
      %add3A_338 = arith.addf %add3A_332, %get3A_337 : vector<16xf32>
      %swap3A_339 = arith.constant 7 : i32
      %swap3A_340 = arith.index_cast %swap3A_339 : i32 to index
      %swap3A_341 = arith.index_cast %mul3A_162 : i32 to index
      %swap3A_342 = tpu.vector_load %arg9[%swap3A_340, %swap3A_341] {strides = array<i32>} : memref<8x1024xf32, #tpu.memory_space<vmem>>, vector<1x16xf32>,
      %swap3A_343 = vector.shape_cast %swap3A_342 : vector<1x16xf32> to vector<16xf32>
      %swap3A_344 = vector.shape_cast %add3A_338 : vector<16xf32> to vector<1x16xf32>
      tpu.vector_store %arg9[%swap3A_340, %swap3A_341], %swap3A_344 {add = true, strides = array<i32>} : memref<8x1024xf32, #tpu.memory_space<vmem>>, vector<1x16xf32>,
      %scan3A_345 = arith.constant 0 : i32
      scf.yield %scan3A_345 : i32
    }
    %scan3A_94 = arith.constant 64 : i32
    %add3A_95 = arith.constant 1008 : i32
    %add3A_96 = arith.addi %mul3A_2, %add3A_95 : i32
    %dma_start3A_97 = arith.constant 0 : i32
    %dma_start3A_98 = tpu.memref_slice %arg7[%add3A_96, %dma_start3A_97] : memref<32768x1024xf32, #tpu.memory_space<hbm>> -> memref<8x1024xf32, #tpu.memory_space<hbm>>
    %dma_start3A_99 = arith.constant 0 : i32
    %dma_start3A_100 = tpu.memref_slice %arg7[%add3A_96, %dma_start3A_99] : memref<32768x1024xf32, #tpu.memory_space<hbm>> -> memref<8x1024xf32, #tpu.memory_space<hbm>>
    tpu.enqueue_dma source(%arg9 : memref<8x1024xf32, #tpu.memory_space<vmem>>) target(%dma_start3A_100 : memref<8x1024xf32, #tpu.memory_space<hbm>>) target_semaphore(%arg24 : memref<!tpu.dma_semaphore, #tpu.memory_space<semaphore_mem>>)
    %add3A_101 = arith.constant 1016 : i32
    %add3A_102 = arith.addi %mul3A_2, %add3A_101 : i32
    %dma_wait3A_103 = arith.constant 0 : i32
    %dma_wait3A_104 = tpu.memref_slice %arg2[%add3A_102, %dma_wait3A_103] : memref<32768x1024xf32, #tpu.memory_space<hbm>> -> memref<8x1024xf32, #tpu.memory_space<hbm>>
    %dma_wait3A_105 = arith.constant 0 : i32
    %dma_wait3A_106 = tpu.memref_slice %arg2[%add3A_102, %dma_wait3A_105] : memref<32768x1024xf32, #tpu.memory_space<hbm>> -> memref<8x1024xf32, #tpu.memory_space<hbm>>
    tpu.wait_dma2 semaphore(%arg22 : memref<!tpu.dma_semaphore, #tpu.memory_space<semaphore_mem>>) src(%dma_wait3A_106 : memref<8x1024xf32, #tpu.memory_space<hbm>>) dst(%arg10 : memref<8x1024xf32, #tpu.memory_space<vmem>>)
    %dma_wait3A_107 = arith.constant 0 : i32
    %dma_wait3A_108 = arith.constant 1016 : i32
    %dma_wait3A_109 = tpu.memref_slice %arg8[%dma_wait3A_107, %dma_wait3A_108] : memref<3x1024xi32, #tpu.memory_space<vmem>> -> memref<1x8xi32, #tpu.memory_space<vmem>>
    %dma_wait3A_110 = tpu.memref_squeeze %dma_wait3A_109 : memref<1x8xi32, #tpu.memory_space<vmem>> -> memref<8xi32, #tpu.memory_space<vmem>>
    %dma_wait3A_111 = arith.constant 0 : i32
    %dma_wait3A_112 = arith.constant 0 : i32
    %dma_wait3A_113 = tpu.memref_slice %arg4[%dma_wait3A_111, %dma_wait3A_112] : memref<512x1024xf32, #tpu.memory_space<hbm>> -> memref<512x1024xf32, #tpu.memory_space<hbm>>
    tpu.wait_indirect_dma semaphore(%arg22 : memref<!tpu.dma_semaphore, #tpu.memory_space<semaphore_mem>>) src(%dma_wait3A_113 : memref<512x1024xf32, #tpu.memory_space<hbm>>) dst(%arg13 : memref<8x1024xf32, #tpu.memory_space<vmem>>)
    %dma_wait3A_114 = arith.constant 1 : i32
    %dma_wait3A_115 = arith.constant 1016 : i32
    %dma_wait3A_116 = tpu.memref_slice %arg8[%dma_wait3A_114, %dma_wait3A_115] : memref<3x1024xi32, #tpu.memory_space<vmem>> -> memref<1x8xi32, #tpu.memory_space<vmem>>
    %dma_wait3A_117 = tpu.memref_squeeze %dma_wait3A_116 : memref<1x8xi32, #tpu.memory_space<vmem>> -> memref<8xi32, #tpu.memory_space<vmem>>
    %dma_wait3A_118 = arith.constant 0 : i32
    %dma_wait3A_119 = arith.constant 0 : i32
    %dma_wait3A_120 = tpu.memref_slice %arg5[%dma_wait3A_118, %dma_wait3A_119] : memref<512x1024xf32, #tpu.memory_space<hbm>> -> memref<512x1024xf32, #tpu.memory_space<hbm>>
    tpu.wait_indirect_dma semaphore(%arg22 : memref<!tpu.dma_semaphore, #tpu.memory_space<semaphore_mem>>) src(%dma_wait3A_120 : memref<512x1024xf32, #tpu.memory_space<hbm>>) dst(%arg16 : memref<8x1024xf32, #tpu.memory_space<vmem>>)
    %dma_wait3A_121 = arith.constant 2 : i32
    %dma_wait3A_122 = arith.constant 1016 : i32
    %dma_wait3A_123 = tpu.memref_slice %arg8[%dma_wait3A_121, %dma_wait3A_122] : memref<3x1024xi32, #tpu.memory_space<vmem>> -> memref<1x8xi32, #tpu.memory_space<vmem>>
    %dma_wait3A_124 = tpu.memref_squeeze %dma_wait3A_123 : memref<1x8xi32, #tpu.memory_space<vmem>> -> memref<8xi32, #tpu.memory_space<vmem>>
    %dma_wait3A_125 = arith.constant 0 : i32
    %dma_wait3A_126 = arith.constant 0 : i32
    %dma_wait3A_127 = tpu.memref_slice %arg6[%dma_wait3A_125, %dma_wait3A_126] : memref<8192x1024xf32, #tpu.memory_space<hbm>> -> memref<8192x1024xf32, #tpu.memory_space<hbm>>
    tpu.wait_indirect_dma semaphore(%arg22 : memref<!tpu.dma_semaphore, #tpu.memory_space<semaphore_mem>>) src(%dma_wait3A_127 : memref<8192x1024xf32, #tpu.memory_space<hbm>>) dst(%arg19 : memref<8x1024xf32, #tpu.memory_space<vmem>>)
    %scan3A_128 = arith.constant 0 : i32
    %scan3A_129 = arith.constant 0 : i32
    %scan3A_130 = arith.constant 64 : i32
    %scan3A_131 = arith.addi %scan3A_129, %scan3A_130 : i32
    %scan3A_132 = arith.constant 1 : i32
    %scan3A_133 = scf.for %scan3A_159 = %scan3A_129 to %scan3A_131 step %scan3A_132 iter_args(%scan3A_160 = %scan3A_128) -> (i32)  : i32 {
      %mul3A_161 = arith.constant 16 : i32
      %mul3A_162 = arith.muli %scan3A_159, %mul3A_161 : i32
      %get3A = arith.constant 0 : i32
      %get3A_163 = arith.index_cast %get3A : i32 to index
      %get3A_164 = arith.index_cast %mul3A_162 : i32 to index
      %get3A_165 = tpu.vector_load %arg13[%get3A_163, %get3A_164] {strides = array<i32>} : memref<8x1024xf32, #tpu.memory_space<vmem>>, vector<1x16xf32>,
      %get3A_166 = vector.shape_cast %get3A_165 : vector<1x16xf32> to vector<16xf32>
      %get3A_167 = arith.constant 0 : i32
      %get3A_168 = arith.index_cast %get3A_167 : i32 to index
      %get3A_169 = arith.index_cast %mul3A_162 : i32 to index
      %get3A_170 = tpu.vector_load %arg16[%get3A_168, %get3A_169] {strides = array<i32>} : memref<8x1024xf32, #tpu.memory_space<vmem>>, vector<1x16xf32>,
      %get3A_171 = vector.shape_cast %get3A_170 : vector<1x16xf32> to vector<16xf32>
      %add3A_172 = arith.addf %get3A_166, %get3A_171 : vector<16xf32>
      %get3A_173 = arith.constant 0 : i32
      %get3A_174 = arith.index_cast %get3A_173 : i32 to index
      %get3A_175 = arith.index_cast %mul3A_162 : i32 to index
      %get3A_176 = tpu.vector_load %arg19[%get3A_174, %get3A_175] {strides = array<i32>} : memref<8x1024xf32, #tpu.memory_space<vmem>>, vector<1x16xf32>,
      %get3A_177 = vector.shape_cast %get3A_176 : vector<1x16xf32> to vector<16xf32>
      %add3A_178 = arith.addf %add3A_172, %get3A_177 : vector<16xf32>
      %swap3A = arith.constant 0 : i32
      %swap3A_179 = arith.index_cast %swap3A : i32 to index
      %swap3A_180 = arith.index_cast %mul3A_162 : i32 to index
      %swap3A_181 = tpu.vector_load %arg10[%swap3A_179, %swap3A_180] {strides = array<i32>} : memref<8x1024xf32, #tpu.memory_space<vmem>>, vector<1x16xf32>,
      %swap3A_182 = vector.shape_cast %swap3A_181 : vector<1x16xf32> to vector<16xf32>
      %swap3A_183 = vector.shape_cast %add3A_178 : vector<16xf32> to vector<1x16xf32>
      tpu.vector_store %arg10[%swap3A_179, %swap3A_180], %swap3A_183 {add = true, strides = array<i32>} : memref<8x1024xf32, #tpu.memory_space<vmem>>, vector<1x16xf32>,
      %get3A_184 = arith.constant 1 : i32
      %get3A_185 = arith.index_cast %get3A_184 : i32 to index
      %get3A_186 = arith.index_cast %mul3A_162 : i32 to index
      %get3A_187 = tpu.vector_load %arg13[%get3A_185, %get3A_186] {strides = array<i32>} : memref<8x1024xf32, #tpu.memory_space<vmem>>, vector<1x16xf32>,
      %get3A_188 = vector.shape_cast %get3A_187 : vector<1x16xf32> to vector<16xf32>
      %get3A_189 = arith.constant 1 : i32
      %get3A_190 = arith.index_cast %get3A_189 : i32 to index
      %get3A_191 = arith.index_cast %mul3A_162 : i32 to index
      %get3A_192 = tpu.vector_load %arg16[%get3A_190, %get3A_191] {strides = array<i32>} : memref<8x1024xf32, #tpu.memory_space<vmem>>, vector<1x16xf32>,
      %get3A_193 = vector.shape_cast %get3A_192 : vector<1x16xf32> to vector<16xf32>
      %add3A_194 = arith.addf %get3A_188, %get3A_193 : vector<16xf32>
      %get3A_195 = arith.constant 1 : i32
      %get3A_196 = arith.index_cast %get3A_195 : i32 to index
      %get3A_197 = arith.index_cast %mul3A_162 : i32 to index
      %get3A_198 = tpu.vector_load %arg19[%get3A_196, %get3A_197] {strides = array<i32>} : memref<8x1024xf32, #tpu.memory_space<vmem>>, vector<1x16xf32>,
      %get3A_199 = vector.shape_cast %get3A_198 : vector<1x16xf32> to vector<16xf32>
      %add3A_200 = arith.addf %add3A_194, %get3A_199 : vector<16xf32>
      %swap3A_201 = arith.constant 1 : i32
      %swap3A_202 = arith.index_cast %swap3A_201 : i32 to index
      %swap3A_203 = arith.index_cast %mul3A_162 : i32 to index
      %swap3A_204 = tpu.vector_load %arg10[%swap3A_202, %swap3A_203] {strides = array<i32>} : memref<8x1024xf32, #tpu.memory_space<vmem>>, vector<1x16xf32>,
      %swap3A_205 = vector.shape_cast %swap3A_204 : vector<1x16xf32> to vector<16xf32>
      %swap3A_206 = vector.shape_cast %add3A_200 : vector<16xf32> to vector<1x16xf32>
      tpu.vector_store %arg10[%swap3A_202, %swap3A_203], %swap3A_206 {add = true, strides = array<i32>} : memref<8x1024xf32, #tpu.memory_space<vmem>>, vector<1x16xf32>,
      %get3A_207 = arith.constant 2 : i32
      %get3A_208 = arith.index_cast %get3A_207 : i32 to index
      %get3A_209 = arith.index_cast %mul3A_162 : i32 to index
      %get3A_210 = tpu.vector_load %arg13[%get3A_208, %get3A_209] {strides = array<i32>} : memref<8x1024xf32, #tpu.memory_space<vmem>>, vector<1x16xf32>,
      %get3A_211 = vector.shape_cast %get3A_210 : vector<1x16xf32> to vector<16xf32>
      %get3A_212 = arith.constant 2 : i32
      %get3A_213 = arith.index_cast %get3A_212 : i32 to index
      %get3A_214 = arith.index_cast %mul3A_162 : i32 to index
      %get3A_215 = tpu.vector_load %arg16[%get3A_213, %get3A_214] {strides = array<i32>} : memref<8x1024xf32, #tpu.memory_space<vmem>>, vector<1x16xf32>,
      %get3A_216 = vector.shape_cast %get3A_215 : vector<1x16xf32> to vector<16xf32>
      %add3A_217 = arith.addf %get3A_211, %get3A_216 : vector<16xf32>
      %get3A_218 = arith.constant 2 : i32
      %get3A_219 = arith.index_cast %get3A_218 : i32 to index
      %get3A_220 = arith.index_cast %mul3A_162 : i32 to index
      %get3A_221 = tpu.vector_load %arg19[%get3A_219, %get3A_220] {strides = array<i32>} : memref<8x1024xf32, #tpu.memory_space<vmem>>, vector<1x16xf32>,
      %get3A_222 = vector.shape_cast %get3A_221 : vector<1x16xf32> to vector<16xf32>
      %add3A_223 = arith.addf %add3A_217, %get3A_222 : vector<16xf32>
      %swap3A_224 = arith.constant 2 : i32
      %swap3A_225 = arith.index_cast %swap3A_224 : i32 to index
      %swap3A_226 = arith.index_cast %mul3A_162 : i32 to index
      %swap3A_227 = tpu.vector_load %arg10[%swap3A_225, %swap3A_226] {strides = array<i32>} : memref<8x1024xf32, #tpu.memory_space<vmem>>, vector<1x16xf32>,
      %swap3A_228 = vector.shape_cast %swap3A_227 : vector<1x16xf32> to vector<16xf32>
      %swap3A_229 = vector.shape_cast %add3A_223 : vector<16xf32> to vector<1x16xf32>
      tpu.vector_store %arg10[%swap3A_225, %swap3A_226], %swap3A_229 {add = true, strides = array<i32>} : memref<8x1024xf32, #tpu.memory_space<vmem>>, vector<1x16xf32>,
      %get3A_230 = arith.constant 3 : i32
      %get3A_231 = arith.index_cast %get3A_230 : i32 to index
      %get3A_232 = arith.index_cast %mul3A_162 : i32 to index
      %get3A_233 = tpu.vector_load %arg13[%get3A_231, %get3A_232] {strides = array<i32>} : memref<8x1024xf32, #tpu.memory_space<vmem>>, vector<1x16xf32>,
      %get3A_234 = vector.shape_cast %get3A_233 : vector<1x16xf32> to vector<16xf32>
      %get3A_235 = arith.constant 3 : i32
      %get3A_236 = arith.index_cast %get3A_235 : i32 to index
      %get3A_237 = arith.index_cast %mul3A_162 : i32 to index
      %get3A_238 = tpu.vector_load %arg16[%get3A_236, %get3A_237] {strides = array<i32>} : memref<8x1024xf32, #tpu.memory_space<vmem>>, vector<1x16xf32>,
      %get3A_239 = vector.shape_cast %get3A_238 : vector<1x16xf32> to vector<16xf32>
      %add3A_240 = arith.addf %get3A_234, %get3A_239 : vector<16xf32>
      %get3A_241 = arith.constant 3 : i32
      %get3A_242 = arith.index_cast %get3A_241 : i32 to index
      %get3A_243 = arith.index_cast %mul3A_162 : i32 to index
      %get3A_244 = tpu.vector_load %arg19[%get3A_242, %get3A_243] {strides = array<i32>} : memref<8x1024xf32, #tpu.memory_space<vmem>>, vector<1x16xf32>,
      %get3A_245 = vector.shape_cast %get3A_244 : vector<1x16xf32> to vector<16xf32>
      %add3A_246 = arith.addf %add3A_240, %get3A_245 : vector<16xf32>
      %swap3A_247 = arith.constant 3 : i32
      %swap3A_248 = arith.index_cast %swap3A_247 : i32 to index
      %swap3A_249 = arith.index_cast %mul3A_162 : i32 to index
      %swap3A_250 = tpu.vector_load %arg10[%swap3A_248, %swap3A_249] {strides = array<i32>} : memref<8x1024xf32, #tpu.memory_space<vmem>>, vector<1x16xf32>,
      %swap3A_251 = vector.shape_cast %swap3A_250 : vector<1x16xf32> to vector<16xf32>
      %swap3A_252 = vector.shape_cast %add3A_246 : vector<16xf32> to vector<1x16xf32>
      tpu.vector_store %arg10[%swap3A_248, %swap3A_249], %swap3A_252 {add = true, strides = array<i32>} : memref<8x1024xf32, #tpu.memory_space<vmem>>, vector<1x16xf32>,
      %get3A_253 = arith.constant 4 : i32
      %get3A_254 = arith.index_cast %get3A_253 : i32 to index
      %get3A_255 = arith.index_cast %mul3A_162 : i32 to index
      %get3A_256 = tpu.vector_load %arg13[%get3A_254, %get3A_255] {strides = array<i32>} : memref<8x1024xf32, #tpu.memory_space<vmem>>, vector<1x16xf32>,
      %get3A_257 = vector.shape_cast %get3A_256 : vector<1x16xf32> to vector<16xf32>
      %get3A_258 = arith.constant 4 : i32
      %get3A_259 = arith.index_cast %get3A_258 : i32 to index
      %get3A_260 = arith.index_cast %mul3A_162 : i32 to index
      %get3A_261 = tpu.vector_load %arg16[%get3A_259, %get3A_260] {strides = array<i32>} : memref<8x1024xf32, #tpu.memory_space<vmem>>, vector<1x16xf32>,
      %get3A_262 = vector.shape_cast %get3A_261 : vector<1x16xf32> to vector<16xf32>
      %add3A_263 = arith.addf %get3A_257, %get3A_262 : vector<16xf32>
      %get3A_264 = arith.constant 4 : i32
      %get3A_265 = arith.index_cast %get3A_264 : i32 to index
      %get3A_266 = arith.index_cast %mul3A_162 : i32 to index
      %get3A_267 = tpu.vector_load %arg19[%get3A_265, %get3A_266] {strides = array<i32>} : memref<8x1024xf32, #tpu.memory_space<vmem>>, vector<1x16xf32>,
      %get3A_268 = vector.shape_cast %get3A_267 : vector<1x16xf32> to vector<16xf32>
      %add3A_269 = arith.addf %add3A_263, %get3A_268 : vector<16xf32>
      %swap3A_270 = arith.constant 4 : i32
      %swap3A_271 = arith.index_cast %swap3A_270 : i32 to index
      %swap3A_272 = arith.index_cast %mul3A_162 : i32 to index
      %swap3A_273 = tpu.vector_load %arg10[%swap3A_271, %swap3A_272] {strides = array<i32>} : memref<8x1024xf32, #tpu.memory_space<vmem>>, vector<1x16xf32>,
      %swap3A_274 = vector.shape_cast %swap3A_273 : vector<1x16xf32> to vector<16xf32>
      %swap3A_275 = vector.shape_cast %add3A_269 : vector<16xf32> to vector<1x16xf32>
      tpu.vector_store %arg10[%swap3A_271, %swap3A_272], %swap3A_275 {add = true, strides = array<i32>} : memref<8x1024xf32, #tpu.memory_space<vmem>>, vector<1x16xf32>,
      %get3A_276 = arith.constant 5 : i32
      %get3A_277 = arith.index_cast %get3A_276 : i32 to index
      %get3A_278 = arith.index_cast %mul3A_162 : i32 to index
      %get3A_279 = tpu.vector_load %arg13[%get3A_277, %get3A_278] {strides = array<i32>} : memref<8x1024xf32, #tpu.memory_space<vmem>>, vector<1x16xf32>,
      %get3A_280 = vector.shape_cast %get3A_279 : vector<1x16xf32> to vector<16xf32>
      %get3A_281 = arith.constant 5 : i32
      %get3A_282 = arith.index_cast %get3A_281 : i32 to index
      %get3A_283 = arith.index_cast %mul3A_162 : i32 to index
      %get3A_284 = tpu.vector_load %arg16[%get3A_282, %get3A_283] {strides = array<i32>} : memref<8x1024xf32, #tpu.memory_space<vmem>>, vector<1x16xf32>,
      %get3A_285 = vector.shape_cast %get3A_284 : vector<1x16xf32> to vector<16xf32>
      %add3A_286 = arith.addf %get3A_280, %get3A_285 : vector<16xf32>
      %get3A_287 = arith.constant 5 : i32
      %get3A_288 = arith.index_cast %get3A_287 : i32 to index
      %get3A_289 = arith.index_cast %mul3A_162 : i32 to index
      %get3A_290 = tpu.vector_load %arg19[%get3A_288, %get3A_289] {strides = array<i32>} : memref<8x1024xf32, #tpu.memory_space<vmem>>, vector<1x16xf32>,
      %get3A_291 = vector.shape_cast %get3A_290 : vector<1x16xf32> to vector<16xf32>
      %add3A_292 = arith.addf %add3A_286, %get3A_291 : vector<16xf32>
      %swap3A_293 = arith.constant 5 : i32
      %swap3A_294 = arith.index_cast %swap3A_293 : i32 to index
      %swap3A_295 = arith.index_cast %mul3A_162 : i32 to index
      %swap3A_296 = tpu.vector_load %arg10[%swap3A_294, %swap3A_295] {strides = array<i32>} : memref<8x1024xf32, #tpu.memory_space<vmem>>, vector<1x16xf32>,
      %swap3A_297 = vector.shape_cast %swap3A_296 : vector<1x16xf32> to vector<16xf32>
      %swap3A_298 = vector.shape_cast %add3A_292 : vector<16xf32> to vector<1x16xf32>
      tpu.vector_store %arg10[%swap3A_294, %swap3A_295], %swap3A_298 {add = true, strides = array<i32>} : memref<8x1024xf32, #tpu.memory_space<vmem>>, vector<1x16xf32>,
      %get3A_299 = arith.constant 6 : i32
      %get3A_300 = arith.index_cast %get3A_299 : i32 to index
      %get3A_301 = arith.index_cast %mul3A_162 : i32 to index
      %get3A_302 = tpu.vector_load %arg13[%get3A_300, %get3A_301] {strides = array<i32>} : memref<8x1024xf32, #tpu.memory_space<vmem>>, vector<1x16xf32>,
      %get3A_303 = vector.shape_cast %get3A_302 : vector<1x16xf32> to vector<16xf32>
      %get3A_304 = arith.constant 6 : i32
      %get3A_305 = arith.index_cast %get3A_304 : i32 to index
      %get3A_306 = arith.index_cast %mul3A_162 : i32 to index
      %get3A_307 = tpu.vector_load %arg16[%get3A_305, %get3A_306] {strides = array<i32>} : memref<8x1024xf32, #tpu.memory_space<vmem>>, vector<1x16xf32>,
      %get3A_308 = vector.shape_cast %get3A_307 : vector<1x16xf32> to vector<16xf32>
      %add3A_309 = arith.addf %get3A_303, %get3A_308 : vector<16xf32>
      %get3A_310 = arith.constant 6 : i32
      %get3A_311 = arith.index_cast %get3A_310 : i32 to index
      %get3A_312 = arith.index_cast %mul3A_162 : i32 to index
      %get3A_313 = tpu.vector_load %arg19[%get3A_311, %get3A_312] {strides = array<i32>} : memref<8x1024xf32, #tpu.memory_space<vmem>>, vector<1x16xf32>,
      %get3A_314 = vector.shape_cast %get3A_313 : vector<1x16xf32> to vector<16xf32>
      %add3A_315 = arith.addf %add3A_309, %get3A_314 : vector<16xf32>
      %swap3A_316 = arith.constant 6 : i32
      %swap3A_317 = arith.index_cast %swap3A_316 : i32 to index
      %swap3A_318 = arith.index_cast %mul3A_162 : i32 to index
      %swap3A_319 = tpu.vector_load %arg10[%swap3A_317, %swap3A_318] {strides = array<i32>} : memref<8x1024xf32, #tpu.memory_space<vmem>>, vector<1x16xf32>,
      %swap3A_320 = vector.shape_cast %swap3A_319 : vector<1x16xf32> to vector<16xf32>
      %swap3A_321 = vector.shape_cast %add3A_315 : vector<16xf32> to vector<1x16xf32>
      tpu.vector_store %arg10[%swap3A_317, %swap3A_318], %swap3A_321 {add = true, strides = array<i32>} : memref<8x1024xf32, #tpu.memory_space<vmem>>, vector<1x16xf32>,
      %get3A_322 = arith.constant 7 : i32
      %get3A_323 = arith.index_cast %get3A_322 : i32 to index
      %get3A_324 = arith.index_cast %mul3A_162 : i32 to index
      %get3A_325 = tpu.vector_load %arg13[%get3A_323, %get3A_324] {strides = array<i32>} : memref<8x1024xf32, #tpu.memory_space<vmem>>, vector<1x16xf32>,
      %get3A_326 = vector.shape_cast %get3A_325 : vector<1x16xf32> to vector<16xf32>
      %get3A_327 = arith.constant 7 : i32
      %get3A_328 = arith.index_cast %get3A_327 : i32 to index
      %get3A_329 = arith.index_cast %mul3A_162 : i32 to index
      %get3A_330 = tpu.vector_load %arg16[%get3A_328, %get3A_329] {strides = array<i32>} : memref<8x1024xf32, #tpu.memory_space<vmem>>, vector<1x16xf32>,
      %get3A_331 = vector.shape_cast %get3A_330 : vector<1x16xf32> to vector<16xf32>
      %add3A_332 = arith.addf %get3A_326, %get3A_331 : vector<16xf32>
      %get3A_333 = arith.constant 7 : i32
      %get3A_334 = arith.index_cast %get3A_333 : i32 to index
      %get3A_335 = arith.index_cast %mul3A_162 : i32 to index
      %get3A_336 = tpu.vector_load %arg19[%get3A_334, %get3A_335] {strides = array<i32>} : memref<8x1024xf32, #tpu.memory_space<vmem>>, vector<1x16xf32>,
      %get3A_337 = vector.shape_cast %get3A_336 : vector<1x16xf32> to vector<16xf32>
      %add3A_338 = arith.addf %add3A_332, %get3A_337 : vector<16xf32>
      %swap3A_339 = arith.constant 7 : i32
      %swap3A_340 = arith.index_cast %swap3A_339 : i32 to index
      %swap3A_341 = arith.index_cast %mul3A_162 : i32 to index
      %swap3A_342 = tpu.vector_load %arg10[%swap3A_340, %swap3A_341] {strides = array<i32>} : memref<8x1024xf32, #tpu.memory_space<vmem>>, vector<1x16xf32>,
      %swap3A_343 = vector.shape_cast %swap3A_342 : vector<1x16xf32> to vector<16xf32>
      %swap3A_344 = vector.shape_cast %add3A_338 : vector<16xf32> to vector<1x16xf32>
      tpu.vector_store %arg10[%swap3A_340, %swap3A_341], %swap3A_344 {add = true, strides = array<i32>} : memref<8x1024xf32, #tpu.memory_space<vmem>>, vector<1x16xf32>,
      %scan3A_345 = arith.constant 0 : i32
      scf.yield %scan3A_345 : i32
    }
    %scan3A_134 = arith.constant 64 : i32
    %add3A_135 = arith.constant 1016 : i32
    %add3A_136 = arith.addi %mul3A_2, %add3A_135 : i32
    %dma_start3A_137 = arith.constant 0 : i32
    %dma_start3A_138 = tpu.memref_slice %arg7[%add3A_136, %dma_start3A_137] : memref<32768x1024xf32, #tpu.memory_space<hbm>> -> memref<8x1024xf32, #tpu.memory_space<hbm>>
    %dma_start3A_139 = arith.constant 0 : i32
    %dma_start3A_140 = tpu.memref_slice %arg7[%add3A_136, %dma_start3A_139] : memref<32768x1024xf32, #tpu.memory_space<hbm>> -> memref<8x1024xf32, #tpu.memory_space<hbm>>
    tpu.enqueue_dma source(%arg10 : memref<8x1024xf32, #tpu.memory_space<vmem>>) target(%dma_start3A_140 : memref<8x1024xf32, #tpu.memory_space<hbm>>) target_semaphore(%arg25 : memref<!tpu.dma_semaphore, #tpu.memory_space<semaphore_mem>>)
    %add3A_141 = arith.constant 1000 : i32
    %add3A_142 = arith.addi %mul3A_2, %add3A_141 : i32
    %dma_wait3A_143 = arith.constant 0 : i32
    %dma_wait3A_144 = tpu.memref_slice %arg7[%add3A_142, %dma_wait3A_143] : memref<32768x1024xf32, #tpu.memory_space<hbm>> -> memref<8x1024xf32, #tpu.memory_space<hbm>>
    %dma_wait3A_145 = arith.constant 0 : i32
    %dma_wait3A_146 = tpu.memref_slice %arg7[%add3A_142, %dma_wait3A_145] : memref<32768x1024xf32, #tpu.memory_space<hbm>> -> memref<8x1024xf32, #tpu.memory_space<hbm>>
    tpu.wait_dma2 semaphore(%arg26 : memref<!tpu.dma_semaphore, #tpu.memory_space<semaphore_mem>>) src(%arg11 : memref<8x1024xf32, #tpu.memory_space<vmem>>) dst(%dma_wait3A_146 : memref<8x1024xf32, #tpu.memory_space<hbm>>)
    %add3A_147 = arith.constant 1008 : i32
    %add3A_148 = arith.addi %mul3A_2, %add3A_147 : i32
    %dma_wait3A_149 = arith.constant 0 : i32
    %dma_wait3A_150 = tpu.memref_slice %arg7[%add3A_148, %dma_wait3A_149] : memref<32768x1024xf32, #tpu.memory_space<hbm>> -> memref<8x1024xf32, #tpu.memory_space<hbm>>
    %dma_wait3A_151 = arith.constant 0 : i32
    %dma_wait3A_152 = tpu.memref_slice %arg7[%add3A_148, %dma_wait3A_151] : memref<32768x1024xf32, #tpu.memory_space<hbm>> -> memref<8x1024xf32, #tpu.memory_space<hbm>>
    tpu.wait_dma2 semaphore(%arg24 : memref<!tpu.dma_semaphore, #tpu.memory_space<semaphore_mem>>) src(%arg9 : memref<8x1024xf32, #tpu.memory_space<vmem>>) dst(%dma_wait3A_152 : memref<8x1024xf32, #tpu.memory_space<hbm>>)
    %add3A_153 = arith.constant 1016 : i32
    %add3A_154 = arith.addi %mul3A_2, %add3A_153 : i32
    %dma_wait3A_155 = arith.constant 0 : i32
    %dma_wait3A_156 = tpu.memref_slice %arg7[%add3A_154, %dma_wait3A_155] : memref<32768x1024xf32, #tpu.memory_space<hbm>> -> memref<8x1024xf32, #tpu.memory_space<hbm>>
    %dma_wait3A_157 = arith.constant 0 : i32
    %dma_wait3A_158 = tpu.memref_slice %arg7[%add3A_154, %dma_wait3A_157] : memref<32768x1024xf32, #tpu.memory_space<hbm>> -> memref<8x1024xf32, #tpu.memory_space<hbm>>
    tpu.wait_dma2 semaphore(%arg25 : memref<!tpu.dma_semaphore, #tpu.memory_space<semaphore_mem>>) src(%arg10 : memref<8x1024xf32, #tpu.memory_space<vmem>>) dst(%dma_wait3A_158 : memref<8x1024xf32, #tpu.memory_space<hbm>>)
    return
  }
}

</mosaic_0001>

<sc_bundles>
// kernel: kernel.3.cloned.1.call-start
scs
__scs_entry_jumppad:
0x0: {  	(pc) =	sbr.rel $0x88, $3  }
0x1: {  	(tag) =	ssettag $0x0;
	lr =	simm.s32 $0x1  }
0x2: {  	[smem:$0x3F9C] =	sst lr;
	_ =	strace $0xD0000000  }
0x3: {  	_ = 	snop  }
0x4: {  	_ = 	snop  }
0x5: {  	_ = 	snop  }
0x6: {  	_ = 	snop  }
0x7: {  	_ = 	snop  }
__scs_overlays_trampoline_lowered:
0x8: {  	[smem:$0x3FAB] =	sst s0  }
0x9: {  	[smem:$0x3FAC] =	sst s1  }
0xa: {  	[smem:$0x3FAD] =	sst s2  }
0xb: {  	[smem:$0x3FAE] =	sst s3  }
0xc: {  	[smem:$0x3FAF] =	sst s4  }
0xd: {  	[smem:$0x3FB0] =	sst s5  }
0xe: {  	[smem:$0x3FB1] =	sst s6  }
0xf: {  	[smem:$0x3FB2] =	sst s7  }
0x10: {  	[smem:$0x3FB3] =	sst s8  }
0x11: {  	[smem:$0x3FB4] =	sst s9;
	s0 =	simm.s32 @!p0 $0x0  }
0x12: {  	s1 =	sld [smem:$0x3F9A];
	s0 =	simm.s32 @p0 $0x1  }
0x13: {  	[smem:$0x3FB5] =	sst s0;
	s0 =	simm.s32 @!p1 $0x0  }
0x14: {  	s2 =	sld [smem:$0x3F99];
	s0 =	simm.s32 @p1 $0x1  }
0x15: {  	[smem:$0x3FB6] =	sst s0;
	s0 =	simm.s32 @!p2 $0x0  }
0x16: {  	s3 =	sld [smem:$0x3FDB];
	s0 =	simm.s32 @p2 $0x1  }
0x17: {  	s4 =	simm.s32 $0x1BF5;
	[smem:$0x3FB8] =	sst s0  }
0x18: {  	s0 =	sld [smem:$0x3F9B];
	_ =	swait.ge [sflag:s4], $0x0  }
0x19: {  	s7 =	sld [smem:$0x3F9C]  }
0x1a: {  	s8 =	sadd.s32 $0xFFFFE003, lr  }
0x1b: {  	s9 =	sadd.s32 $0xFFFFFEF7, lr;
	s5 =	simm.s32 $0xFFFFFFFF;
	p2 =	slt.u32 s8, $0xFFFFF086  }
0x1c: {  	p1 =	slt.u32 s9, $0xF7A;
	s5 =	simm.s32 @!p2 $0x0  }
0x1d: {  	s5 =	simm.s32 @p1 $0x1;
	p0 =	seq.s32 s7, s2  }
0x1e: {  	s7 =	smul.u32 @!p0 $0xF7A, s2;
	p2 =	seq.s32 @!p0 s5, $0x0  }
0x1f: {  	s9 =	smul.u32 $0xF7A, s1;
	s8 =	simm.s32 @!p0 $0x1BF5;
	p2 =	por !p2, p0  }
0x20: {  	[sflag:s8] =	ssyncset.s32 @!p0 $0xFFFFF086;
	s6 =	sadd.s32 @!p0 s3, s7;
	s7 =	simm.s32 @!p0 $0x108  }
0x21: {  	s3 =	sadd.s32 s3, s9;
	s6 =	sadd.s32 @!p0 $0x88, s6;
	s7 =	simm.s32 @p2 $0x1082  }
0x22: {  	[simem:s7], [sflag:s8] =	dma.local @!p0 [hbm:s6], $0xF7A  }
0x23: {  	s9 =	sor.u32 $0xD0000000, s2;
	s6 =	simm.s32 $0x108;
	_ =	swait.ge @!p0 [sflag:s8], $0x0  }
0x24: {  	s3 =	sadd.s32 $0x88, s3;
	s6 =	simm.s32 @!p1 $0x1082;
	[sflag:s4] =	ssyncset.s32 $0xFFFFF086  }
0x25: {  	[simem:s6], [sflag:s4] =	dma.local [hbm:s3], $0xF7A  }
0x26: {  	[smem:$0x3F9C] =	sst s1;
	(tag) =	ssettag s2;
	_ =	strace s9  }
0x27: {  	s1 =	sld [smem:$0x3FAC]  }
0x28: {  	s2 =	sld [smem:$0x3FAD]  }
0x29: {  	s4 =	sld [smem:$0x3FAF]  }
0x2a: {  	p0 =	seq.s32 s5, $0x0;
	s5 =	sld [smem:$0x3FB0]  }
0x2b: {  	s6 =	sld [smem:$0x3FB1]  }
0x2c: {  	s7 =	sld [smem:$0x3FB2]  }
0x2d: {  	s3 =	simm.s32 $0x108;
	s8 =	sld [smem:$0x3FB3]  }
0x2e: {  	s3 =	simm.s32 @!p0 $0x1082;
	s9 =	sld [smem:$0x3FB4]  }
0x2f: {  	lr =	sadd.s32 s0, s3;
	s0 =	sld [smem:$0x3FAB]  }
0x30: {  	s3 =	sld [smem:$0x3FAE]  }
0x31: {  	[smem:$0x3FB7] =	sst s10  }
0x32: {  	s10 =	sld [smem:$0x3FB5];
	_ =	sdelay $0x3  }
0x33: {  	p0 =	seq.s32 s10, $0x1;
	s10 =	sld [smem:$0x3FB7];
	_ =	sdelay $0x3  }
0x34: {  	[smem:$0x3FB7] =	sst s10  }
0x35: {  	s10 =	sld [smem:$0x3FB6];
	_ =	sdelay $0x3  }
0x36: {  	p1 =	seq.s32 s10, $0x1;
	s10 =	sld [smem:$0x3FB7];
	_ =	sdelay $0x3  }
0x37: {  	[smem:$0x3FB7] =	sst s10  }
0x38: {  	s10 =	sld [smem:$0x3FB8]  }
0x39: {  	_ = 	snop;
	(pc) =	sbr.ind lr, $3  }
0x3a: {  	_ = 	snop  }
0x3b: {  	_ = 	snop  }
0x3c: {  	p2 =	seq.s32 s10, $0x1;
	s10 =	sld [smem:$0x3FB7]  }
0x3d: {  	_ =	shalt  }
0x3e: {  	_ =	shalt  }
0x3f: {  	_ =	shalt  }
0x40: {  	_ =	shalt  }
0x41: {  	_ =	shalt  }
0x42: {  	_ =	shalt  }
0x43: {  	_ =	shalt  }
0x44: {  	_ =	shalt  }
0x45: {  	_ =	shalt  }
0x46: {  	_ =	shalt  }
0x47: {  	_ =	shalt  }
0x48: {  	_ =	shalt  }
0x49: {  	_ =	shalt  }
0x4a: {  	_ =	shalt  }
0x4b: {  	_ =	shalt  }
0x4c: {  	_ =	shalt  }
0x4d: {  	_ =	shalt  }
0x4e: {  	_ =	shalt  }
0x4f: {  	_ =	shalt  }
0x50: {  	_ =	shalt  }
0x51: {  	_ =	shalt  }
0x52: {  	_ =	shalt  }
0x53: {  	_ =	shalt  }
0x54: {  	_ =	shalt  }
0x55: {  	_ =	shalt  }
0x56: {  	_ =	shalt  }
0x57: {  	_ =	shalt  }
0x58: {  	_ =	shalt  }
0x59: {  	_ =	shalt  }
0x5a: {  	_ =	shalt  }
0x5b: {  	_ =	shalt  }
0x5c: {  	_ =	shalt  }
0x5d: {  	_ =	shalt  }
0x5e: {  	_ =	shalt  }
0x5f: {  	_ =	shalt  }
0x60: {  	_ =	shalt  }
0x61: {  	_ =	shalt  }
0x62: {  	_ =	shalt  }
0x63: {  	_ =	shalt  }
0x64: {  	_ =	shalt  }
0x65: {  	_ =	shalt  }
0x66: {  	_ =	shalt  }
0x67: {  	_ =	shalt  }
0x68: {  	_ =	shalt  }
0x69: {  	_ =	shalt  }
0x6a: {  	_ =	shalt  }
0x6b: {  	_ =	shalt  }
0x6c: {  	_ =	shalt  }
0x6d: {  	_ =	shalt  }
0x6e: {  	_ =	shalt  }
0x6f: {  	_ =	shalt  }
0x70: {  	_ =	shalt  }
0x71: {  	_ =	shalt  }
0x72: {  	_ =	shalt  }
0x73: {  	_ =	shalt  }
0x74: {  	_ =	shalt  }
0x75: {  	_ =	shalt  }
0x76: {  	_ =	shalt  }
0x77: {  	_ =	shalt  }
0x78: {  	_ =	shalt  }
0x79: {  	_ =	shalt  }
0x7a: {  	_ =	shalt  }
0x7b: {  	_ =	shalt  }
0x7c: {  	_ =	shalt  }
0x7d: {  	_ =	shalt  }
0x7e: {  	_ =	shalt  }
0x7f: {  	_ =	shalt  }
0x80: {  	_ =	shalt  }
0x81: {  	_ =	shalt  }
0x82: {  	_ =	shalt  }
0x83: {  	_ =	shalt  }
0x84: {  	_ =	shalt  }
0x85: {  	_ =	shalt  }
0x86: {  	_ =	shalt  }
0x87: {  	_ =	shalt  }
.Lfunc_end0:
.L_simem_size_0:
called_computation_lowered:
.L_overlay_start_0:
0x88: {  	s2 =	sld [smem:$0x3FD9]  }
0x89: {  	s3 =	sld [smem:$0x3FFE];
	_ =	sdelay $0x1  }
0x8a: {  	s1 =	srdreg.scid  }
0x8b: {  	s0 =	sand.u32 $0x1, s1  }
0x8c: {  	s17 =	sshll.u32 s0, $0xA;
	s2 =	sadd.s32 s3, s2  }
0x8d: {  	s2 =	sadd.s32 s2, s17  }
0x8e: {  	[smem:$0x3FC3] =	sst s2  }
0x8f: {  	_ = 	snop  }
0x90: {  	s2 =	sld [smem:$0x3FC9]  }
0x91: {  	s18 =	sld [smem:$0x3FC7]  }
0x92: {  	s4 =	sld [smem:$0x3FC6]  }
0x93: {  	s5 =	sld [smem:$0x3FC5]  }
0x94: {  	s6 =	sld [smem:$0x3FD0];
	(tm) =	ssettm $0x1  }
0x95: {  	s7 =	sld [smem:$0x3FFB];
	_ =	sdelay $0x3  }
0x96: {  	_ =	strace s7  }
0x97: {  	s7 =	sld [smem:$0x3FFC];
	_ =	sdelay $0x3  }
0x98: {  	_ =	strace s7  }
0x99: {  	s7 =	sld [smem:$0x3FFD];
	_ =	sdelay $0x3  }
0x9a: {  	_ =	strace s7  }
0x9b: {  	_ =	strace $0x8FFFFFFF  }
0x9c: {  	s19 =	sld [smem:$0x3FDB];
	_ =	sdelay $0x1  }
0x9d: {  	s8 =	simm.s32 $_scs_section_size  }
0x9e: {  	s9 =	simm.s32 $_size__tile_overlayer_lowered;
	s10 =	simm.s32 $_tile_overlayer_lowered  }
0x9f: {  	s22 =	simm.s32 $0x1BFF;
	s21 =	sshll.u32 s10, $0x1;
	s7 =	sadd.s32 s8, s19  }
0xa0: {  	s11 =	simm.s32 $0x0;
	s20 =	sshll.u32 s9, $0x1;
	s9 =	sadd.s32 s21, s7  }
0xa1: {  	[timem:s11], [sflag:s22] =	dma.local [hbm:s9], s20  }
0xa2: {  	_ =	swait.ge [sflag:s22], s20  }
0xa3: {  	s8 =	ssub.s32 $0x0, s20;
	[sflag:s22] =	ssyncset.done $0x0  }
0xa4: {  	[sflag:s22] =	ssyncadd.s32 s8;
	_ =	sdelay $0x1  }
0xa5: {  	s23 =	simm.s32 $0x1B8B  }
0xa6: {  	_ =	swait.ge [sflag:s23], $0x1  }
0xa7: {  	[sflag:s23] =	ssyncset.done $0x0  }
0xa8: {  	s25 =	simm.s32 $0x1B8E;
	s24 =	sld [smem:$0x3FFE];
	[sflag:s23] =	ssyncadd.s32 $0xFFFFFFFF  }
0xa9: {  	s26 =	simm.s32 $execute0_lowered;
	[smem:$0x3FD2] =	sst s25  }
0xaa: {  	s9 =	sshll.u32 s26, $0x1;
	_ =	strace $0x80000046;
	[dreg:$0x1] =	wrdreg $0xFFFFFFFF  }
0xab: {  	s28 =	simm.s32 $_size_execute0_lowered;
	s7 =	sadd.s32 s7, s9;
	[dreg:$0x0] =	wrdreg $0x0  }
0xac: {  	s9 =	sshll.u32 s28, $0x1;
	[dreg:$0x2] =	wrdreg s7  }
0xad: {  	[dreg:$0x3] =	wrdreg s9  }
0xae: {  	[dreg:$0x4] =	wrdreg $0xC0  }
0xaf: {  	_ =	task [dreg:s11], $0x5FFFF  }
0xb0: {  	[dreg:$0x1] =	wrdreg $0xFFFFFFFF  }
0xb1: {  	[dreg:$0x0] =	wrdreg $0x60  }
0xb2: {  	[dreg:$0x2] =	wrdreg s2  }
0xb3: {  	[dreg:$0x3] =	wrdreg s24  }
0xb4: {  	[dreg:$0x4] =	wrdreg s18  }
0xb5: {  	[dreg:$0x5] =	wrdreg s4  }
0xb6: {  	[dreg:$0x6] =	wrdreg s5  }
0xb7: {  	[dreg:$0x7] =	wrdreg s6  }
0xb8: {  	[dreg:$0x8] =	wrdreg $0x9  }
0xb9: {  	_ =	task.clear_ibuf [dreg:s11], $0x9FFFF;
	_ =	strace $0x90000046  }
0xba: {  	s29 =	simm.s32 $0x9;
	_ =	strace $0x80000048  }
0xbb: {  	_ =	swait.ge [sflag:s29], $0x1  }
0xbc: {  	[sflag:s29] =	ssyncadd.s32 $0xFFFFFFFF  }
0xbd: {  	_ =	strace $0x90000048  }
0xbe: {  	_ =	sfence  }
0xbf: {  	s30 =	sld [smem:$0x0];
	_ =	sdelay $0x2  }
0xc0: {  	s31 =	sshll.u32 s1, $0xD;
	s1 =	sshrl.u32 s1, $0x2  }
0xc1: {  	s3 =	sand.u32 $0x4000, s31;
	s1 =	sadd.s32 s1, s30  }
0xc2: {  	s0 =	sor.u32 s3, s0;
	s1 =	sshll.u32 s1, $0x11  }
0xc3: {  	s0 =	sor.u32 s1, s0  }
0xc4: {  	s0 =	sadd.s32 $0x8F2B, s0  }
0xc5: {  	[sflag:s0] =	ssyncadd.remote.s32 $0x1  }
0xc6: {  	_ =	sfence.sel $0xFFFF  }
0xc7: {  	[dreg:$0x0] =	wrdreg $0xFFFFFFFF;
	(pc) =	sbr.abs _section_cstart, $3  }
0xc8: {  	[dreg:$0x1] =	wrdreg $0xFFFFFFFF  }
0xc9: {  	_ =	task.clear_ibuf [dreg:s11], $0x2FFFF;
	_ =	strace $0x9FFFFFFF  }
0xca: {  	(tm) =	ssettm $0x7FFFFFFF  }
0xcb: {  	_ =	shalt  }
tec
execute0_lowered:
.L_overlay_start_1:
0x0: {  	(tag) =	ssettag $0x1  }
0x1: {  	s0 =	rddreg [dreg:$0x0]  }
0x2: {  	s1 =	rddreg [dreg:$0x1]  }
0x3: {  	s2 =	rddreg [dreg:$0x2]  }
0x4: {  	s4 =	rddreg [dreg:$0x3]  }
0x5: {  	s5 =	rddreg [dreg:$0x4]  }
0x6: {  	s6 =	rddreg [dreg:$0x5]  }
0x7: {  	s3 =	srdreg.scid;
	s7 =	stileid.u32;
	s24 =	simm.s32 $0x0  }
0x8: {  	s28 =	simm.s32 $0x3000;
	s29 =	simm.s32 $0x1;
	s30 =	simm.s32 $0x4  }
0x9: {  	s31 =	simm.s32 $0x2;
	s3 =	sand.u32 $0x1, s3;
	s7 =	sshll.u32 s7, $0x1  }
0xa: {  	[smem:$0x7FF] =	sst s24;
	s11 =	sadd.s32 $0x100, s2;
	s12 =	sadd.s32 $0x200, s2  }
0xb: {  	s13 =	sadd.s32 $0x300, s2;
	s14 =	sadd.s32 $0x100, s4;
	s15 =	sadd.s32 $0x200, s4  }
0xc: {  	s16 =	sadd.s32 $0x300, s4;
	s17 =	sadd.s32 $0x100, s5;
	s18 =	sadd.s32 $0x200, s5  }
0xd: {  	s19 =	sadd.s32 $0x300, s5;
	s7 =	sor.u32 s3, s7;
	s3 =	ssub.s32 $0x2, s3  }
0xe: {  	_ =	strace $0x80000047;
	s8 =	sshll.u32 s7, $0x9;
	s22 =	sshll.u32 s7, $0x11  }
0xf: {  	s1 =	sadd.s32 s8, s1;
	s8 =	sshll.u32 s7, $0xA;
	s7 =	sadd.s32 s0, s22  }
0x10: {  	s9 =	sshrl.u32 s3, $0x1;
	s1 =	sadd.s32 $0x400, s1;
	[dreg:$0x8] =	wrdreg s7  }
0x11: {  	s3 =	ssub.s32 s3, s9;
	s7 =	sadd.s32 $0x400, s7;
	[dreg:$0x7] =	wrdreg s1  }
0x12: {  	s9 =	simm.s32 $0x0;
	s23 =	sor.u32 $0x8, s8;
	[dreg:$0x9] =	wrdreg s7  }
0x13: {  	s26 =	smax.u32 s3, $0x1;
	s1 =	sadd.s32 s22, s6;
	[dreg:$0xa] =	wrdreg s23  }
0x14: {  	v0 =	vlaneseq.u32;
	s3 =	simm.s32 $0x3;
	[dreg:$0xd] =	wrdreg s26;
	s25 =	sadd.s32 $0x1F800, s1  }
0x15: {  	v1 =	vshrl.u32 v0, $0x3;
	s26 =	simm.s32 $0x5000;
	s1 =	sadd.s32 $0x1FC00, s1;
	[dreg:$0xb] =	wrdreg s25  }
0x16: {  	vm0 =	vmmov $0xffff;
	v0 =	vand.u32 $0x7, v0;
	v1 =	vmul.u32 $0x8, v1;
	[dreg:$0xc] =	wrdreg s1;
	s25 =	simm.s32 $0x1000;
	s1 =	simm.s32 $0x5  }
.LBB2_1:
0x17: {  	[dreg:$0xe] =	wrdreg s9  }
0x18: {  	s7 =	rddreg [dreg:$0x7];
	s21 =	simm.s32 $0x7  }
0x19: {  	[tilespmem:s24], [sflag:$0x7] =	stream.linear.gather [hbm4b:s7+s24], $0x1000, $0x38;
	[tilespmem:$0x19000] =	vst v63  }
0x1a: {  	_ =	swait.ge [sflag:s21], $0x1000  }
0x1b: {  	[sflag:s21] =	ssyncset.done $0x0  }
0x1c: {  	s22 =	rddreg [dreg:$0x8];
	[sflag:s21] =	ssyncadd.s32 $0xFFFFF000  }
0x1d: {  	[tilespmem:s25], [sflag:$0x1] =	stream.linear.gather [hbm4b:s22+s24], $0x2000, $0x38;
	[tilespmem:$0x19000] =	vst v63  }
0x1e: {  	v2 =	vld.msk [tilespmem:$0x0], $0xff;
	_ =	sdelay $0x4  }
0x1f: {  	v3 =	vshll.u32 v2, $0x3  }
0x20: {  	v2 =	vand.u32 $0x7, v2;
	v3 =	vand.u32 $0xFFFFFFC0, v3  }
0x21: {  	v2 =	vor.u32 v2, v3  }
0x22: {  	v2 =	vperm.xlane v2, v0;
	_ =	sdelay $0x1  }
0x23: {  	v2 =	vadd.s32 v1, v2;
	_ =	sdelay $0x3  }
0x24: {  	s23 =	simm.s32 $0x7000  }
0x25: {  	[tilespmem:s23], [sflag:$0x1] =	stream.indirect_vreg.gather [hbm4b:s2+s24], $0x80, v2, vm0, $0xb8;
	[tilespmem:$0x19000] =	vst v63  }
0x26: {  	s25 =	simm.s32 $0x7800  }
0x27: {  	[tilespmem:s25], [sflag:$0x1] =	stream.indirect_vreg.gather [hbm4b:s11+s24], $0x80, v2, vm0, $0xb8;
	[tilespmem:$0x19000] =	vst v63  }
0x28: {  	s9 =	simm.s32 $0x8000  }
0x29: {  	[tilespmem:s9], [sflag:$0x1] =	stream.indirect_vreg.gather [hbm4b:s12+s24], $0x80, v2, vm0, $0xb8;
	[tilespmem:$0x19000] =	vst v63  }
0x2a: {  	s10 =	simm.s32 $0x8800  }
0x2b: {  	[tilespmem:s10], [sflag:$0x1] =	stream.indirect_vreg.gather [hbm4b:s13+s24], $0x80, v2, vm0, $0xb8;
	[tilespmem:$0x19000] =	vst v63  }
0x2c: {  	v2 =	vld.msk [tilespmem:$0x80], $0xff;
	_ =	sdelay $0x4  }
0x2d: {  	v3 =	vshll.u32 v2, $0x3  }
0x2e: {  	v2 =	vand.u32 $0x7, v2;
	v3 =	vand.u32 $0xFFFFFFC0, v3  }
0x2f: {  	v2 =	vor.u32 v2, v3  }
0x30: {  	v2 =	vperm.xlane v2, v0;
	_ =	sdelay $0x1  }
0x31: {  	v2 =	vadd.s32 v1, v2;
	_ =	sdelay $0x3  }
0x32: {  	s20 =	simm.s32 $0xD000  }
0x33: {  	[tilespmem:s20], [sflag:$0x1] =	stream.indirect_vreg.gather [hbm4b:s4+s24], $0x80, v2, vm0, $0xb8;
	[tilespmem:$0x19000] =	vst v63  }
0x34: {  	s21 =	simm.s32 $0xD800  }
0x35: {  	[tilespmem:s21], [sflag:$0x1] =	stream.indirect_vreg.gather [hbm4b:s14+s24], $0x80, v2, vm0, $0xb8;
	[tilespmem:$0x19000] =	vst v63  }
0x36: {  	s22 =	simm.s32 $0xE000  }
0x37: {  	[tilespmem:s22], [sflag:$0x1] =	stream.indirect_vreg.gather [hbm4b:s15+s24], $0x80, v2, vm0, $0xb8;
	[tilespmem:$0x19000] =	vst v63  }
0x38: {  	s23 =	simm.s32 $0xE800  }
0x39: {  	[tilespmem:s23], [sflag:$0x1] =	stream.indirect_vreg.gather [hbm4b:s16+s24], $0x80, v2, vm0, $0xb8;
	[tilespmem:$0x19000] =	vst v63  }
0x3a: {  	v2 =	vld.msk [tilespmem:$0x100], $0xff;
	_ =	sdelay $0x4  }
0x3b: {  	v3 =	vshll.u32 v2, $0x3  }
0x3c: {  	v2 =	vand.u32 $0x7, v2;
	v3 =	vand.u32 $0xFFFFFFC0, v3  }
0x3d: {  	v2 =	vor.u32 v2, v3  }
0x3e: {  	v2 =	vperm.xlane v2, v0;
	_ =	sdelay $0x1  }
0x3f: {  	v2 =	vadd.s32 v1, v2;
	_ =	sdelay $0x3  }
0x40: {  	s25 =	simm.s32 $0x13000  }
0x41: {  	[tilespmem:s25], [sflag:$0x1] =	stream.indirect_vreg.gather [hbm4b:s5+s24], $0x80, v2, vm0, $0xb8;
	[tilespmem:$0x19000] =	vst v63  }
0x42: {  	s9 =	simm.s32 $0x13800  }
0x43: {  	[tilespmem:s9], [sflag:$0x1] =	stream.indirect_vreg.gather [hbm4b:s17+s24], $0x80, v2, vm0, $0xb8;
	[tilespmem:$0x19000] =	vst v63  }
0x44: {  	s10 =	simm.s32 $0x14000  }
0x45: {  	[tilespmem:s10], [sflag:$0x1] =	stream.indirect_vreg.gather [hbm4b:s18+s24], $0x80, v2, vm0, $0xb8;
	[tilespmem:$0x19000] =	vst v63  }
0x46: {  	s20 =	simm.s32 $0x14800  }
0x47: {  	[tilespmem:s20], [sflag:$0x1] =	stream.indirect_vreg.gather [hbm4b:s19+s24], $0x80, v2, vm0, $0xb8;
	[tilespmem:$0x19000] =	vst v63  }
0x48: {  	s21 =	rddreg [dreg:$0x9]  }
0x49: {  	[tilespmem:s28], [sflag:$0x2] =	stream.linear.gather [hbm4b:s21+s24], $0x2000, $0x38;
	[tilespmem:$0x19000] =	vst v63  }
0x4a: {  	v2 =	vld.msk [tilespmem:$0x8], $0xff;
	_ =	sdelay $0x4  }
0x4b: {  	v3 =	vshll.u32 v2, $0x3  }
0x4c: {  	v2 =	vand.u32 $0x7, v2;
	v3 =	vand.u32 $0xFFFFFFC0, v3  }
0x4d: {  	v2 =	vor.u32 v2, v3  }
0x4e: {  	v2 =	vperm.xlane v2, v0;
	_ =	sdelay $0x1  }
0x4f: {  	v2 =	vadd.s32 v1, v2;
	_ =	sdelay $0x3  }
0x50: {  	s22 =	simm.s32 $0x9000  }
0x51: {  	[tilespmem:s22], [sflag:$0x2] =	stream.indirect_vreg.gather [hbm4b:s2+s24], $0x80, v2, vm0, $0xb8;
	[tilespmem:$0x19000] =	vst v63  }
0x52: {  	s23 =	simm.s32 $0x9800  }
0x53: {  	[tilespmem:s23], [sflag:$0x2] =	stream.indirect_vreg.gather [hbm4b:s11+s24], $0x80, v2, vm0, $0xb8;
	[tilespmem:$0x19000] =	vst v63  }
0x54: {  	s25 =	simm.s32 $0xA000  }
0x55: {  	[tilespmem:s25], [sflag:$0x2] =	stream.indirect_vreg.gather [hbm4b:s12+s24], $0x80, v2, vm0, $0xb8;
	[tilespmem:$0x19000] =	vst v63  }
0x56: {  	s28 =	simm.s32 $0xA800  }
0x57: {  	[tilespmem:s28], [sflag:$0x2] =	stream.indirect_vreg.gather [hbm4b:s13+s24], $0x80, v2, vm0, $0xb8;
	[tilespmem:$0x19000] =	vst v63  }
0x58: {  	v2 =	vld.msk [tilespmem:$0x88], $0xff;
	_ =	sdelay $0x4  }
0x59: {  	v3 =	vshll.u32 v2, $0x3  }
0x5a: {  	v2 =	vand.u32 $0x7, v2;
	v3 =	vand.u32 $0xFFFFFFC0, v3  }
0x5b: {  	v2 =	vor.u32 v2, v3  }
0x5c: {  	v2 =	vperm.xlane v2, v0;
	_ =	sdelay $0x1  }
0x5d: {  	v2 =	vadd.s32 v1, v2;
	_ =	sdelay $0x3  }
0x5e: {  	s9 =	simm.s32 $0xF000  }
0x5f: {  	[tilespmem:s9], [sflag:$0x2] =	stream.indirect_vreg.gather [hbm4b:s4+s24], $0x80, v2, vm0, $0xb8;
	[tilespmem:$0x19000] =	vst v63  }
0x60: {  	s10 =	simm.s32 $0xF800  }
0x61: {  	[tilespmem:s10], [sflag:$0x2] =	stream.indirect_vreg.gather [hbm4b:s14+s24], $0x80, v2, vm0, $0xb8;
	[tilespmem:$0x19000] =	vst v63  }
0x62: {  	s20 =	simm.s32 $0x10000  }
0x63: {  	[tilespmem:s20], [sflag:$0x2] =	stream.indirect_vreg.gather [hbm4b:s15+s24], $0x80, v2, vm0, $0xb8;
	[tilespmem:$0x19000] =	vst v63  }
0x64: {  	s21 =	simm.s32 $0x10800  }
0x65: {  	[tilespmem:s21], [sflag:$0x2] =	stream.indirect_vreg.gather [hbm4b:s16+s24], $0x80, v2, vm0, $0xb8;
	[tilespmem:$0x19000] =	vst v63  }
0x66: {  	v2 =	vld.msk [tilespmem:$0x108], $0xff;
	_ =	sdelay $0x4  }
0x67: {  	v3 =	vshll.u32 v2, $0x3  }
0x68: {  	v2 =	vand.u32 $0x7, v2;
	v3 =	vand.u32 $0xFFFFFFC0, v3  }
0x69: {  	v2 =	vor.u32 v2, v3  }
0x6a: {  	v2 =	vperm.xlane v2, v0;
	_ =	sdelay $0x1  }
0x6b: {  	v2 =	vadd.s32 v1, v2;
	_ =	sdelay $0x3  }
0x6c: {  	s22 =	simm.s32 $0x15000  }
0x6d: {  	[tilespmem:s22], [sflag:$0x2] =	stream.indirect_vreg.gather [hbm4b:s5+s24], $0x80, v2, vm0, $0xb8;
	[tilespmem:$0x19000] =	vst v63  }
0x6e: {  	s23 =	simm.s32 $0x15800  }
0x6f: {  	[tilespmem:s23], [sflag:$0x2] =	stream.indirect_vreg.gather [hbm4b:s17+s24], $0x80, v2, vm0, $0xb8;
	[tilespmem:$0x19000] =	vst v63  }
0x70: {  	s25 =	simm.s32 $0x16000  }
0x71: {  	[tilespmem:s25], [sflag:$0x2] =	stream.indirect_vreg.gather [hbm4b:s18+s24], $0x80, v2, vm0, $0xb8;
	[tilespmem:$0x19000] =	vst v63  }
0x72: {  	s28 =	simm.s32 $0x16800;
	s9 =	simm.s32 $0x0  }
0x73: {  	[tilespmem:s28], [sflag:$0x2] =	stream.indirect_vreg.gather [hbm4b:s19+s24], $0x80, v2, vm0, $0xb8;
	[tilespmem:$0x19000] =	vst v63  }
.LBB2_2:
0x74: {  	s22 =	smul.u32 $0x18, s9  }
0x75: {  	p0 =	seq.s32 s9, $0x0  }
0x76: {  	s7 =	simm.s32 @!p0 $0x6;
	s10 =	sadd.s32 $0x10, s22  }
0x77: {  	_ =	swait.ge @!p0 [sflag:s7], $0x2000;
	s20 =	sadd.s32 s8, s10  }
0x78: {  	[sflag:s7] =	ssyncset.done @!p0 $0x0;
	s21 =	sshll.u32 s10, $0x2;
	s10 =	sand.u32 $0x78, s10  }
0x79: {  	s20 =	sshll.u32 s20, $0x7;
	[sflag:s7] =	ssyncadd.s32 @!p0 $0xFFFFE000;
	s7 =	sand.u32 $0x3E00, s21  }
0x7a: {  	s23 =	simm.s32 $0x0;
	s28 =	sadd.s32 s0, s20;
	s7 =	sor.u32 s10, s7  }
0x7b: {  	[tilespmem:s26], [sflag:$0x3] =	stream.linear.gather [hbm4b:s28+s23], $0x2000, $0x38;
	[tilespmem:$0x19000] =	vst v63  }
0x7c: {  	v2 =	vld.msk [tilespmem:s7+$0x0], $0xff;
	_ =	sdelay $0x4  }
0x7d: {  	v3 =	vshll.u32 v2, $0x3  }
0x7e: {  	v2 =	vand.u32 $0x7, v2;
	v3 =	vand.u32 $0xFFFFFFC0, v3  }
0x7f: {  	v2 =	vor.u32 v2, v3  }
0x80: {  	v2 =	vperm.xlane v2, v0;
	_ =	sdelay $0x1  }
0x81: {  	v2 =	vadd.s32 v1, v2;
	_ =	sdelay $0x3  }
0x82: {  	s24 =	simm.s32 $0xB000  }
0x83: {  	[tilespmem:s24], [sflag:$0x3] =	stream.indirect_vreg.gather [hbm4b:s2+s23], $0x80, v2, vm0, $0xb8;
	[tilespmem:$0x19000] =	vst v63  }
0x84: {  	s25 =	simm.s32 $0xB800  }
0x85: {  	[tilespmem:s25], [sflag:$0x3] =	stream.indirect_vreg.gather [hbm4b:s11+s23], $0x80, v2, vm0, $0xb8;
	[tilespmem:$0x19000] =	vst v63  }
0x86: {  	s26 =	simm.s32 $0xC000  }
0x87: {  	[tilespmem:s26], [sflag:$0x3] =	stream.indirect_vreg.gather [hbm4b:s12+s23], $0x80, v2, vm0, $0xb8;
	[tilespmem:$0x19000] =	vst v63  }
0x88: {  	s28 =	simm.s32 $0xC800;
	s21 =	sor.u32 $0x80, s7  }
0x89: {  	[tilespmem:s28], [sflag:$0x3] =	stream.indirect_vreg.gather [hbm4b:s13+s23], $0x80, v2, vm0, $0xb8;
	[tilespmem:$0x19000] =	vst v63  }
0x8a: {  	v2 =	vld.msk [tilespmem:s21+$0x0], $0xff;
	_ =	sdelay $0x4  }
0x8b: {  	v3 =	vshll.u32 v2, $0x3  }
0x8c: {  	v2 =	vand.u32 $0x7, v2;
	v3 =	vand.u32 $0xFFFFFFC0, v3  }
0x8d: {  	v2 =	vor.u32 v2, v3  }
0x8e: {  	v2 =	vperm.xlane v2, v0;
	_ =	sdelay $0x1  }
0x8f: {  	v2 =	vadd.s32 v1, v2;
	_ =	sdelay $0x3  }
0x90: {  	s24 =	simm.s32 $0x11000  }
0x91: {  	[tilespmem:s24], [sflag:$0x3] =	stream.indirect_vreg.gather [hbm4b:s4+s23], $0x80, v2, vm0, $0xb8;
	[tilespmem:$0x19000] =	vst v63  }
0x92: {  	s25 =	simm.s32 $0x11800  }
0x93: {  	[tilespmem:s25], [sflag:$0x3] =	stream.indirect_vreg.gather [hbm4b:s14+s23], $0x80, v2, vm0, $0xb8;
	[tilespmem:$0x19000] =	vst v63  }
0x94: {  	s26 =	simm.s32 $0x12000  }
0x95: {  	[tilespmem:s26], [sflag:$0x3] =	stream.indirect_vreg.gather [hbm4b:s15+s23], $0x80, v2, vm0, $0xb8;
	[tilespmem:$0x19000] =	vst v63  }
0x96: {  	s7 =	sor.u32 $0x100, s7;
	s28 =	simm.s32 $0x12800  }
0x97: {  	[tilespmem:s28], [sflag:$0x3] =	stream.indirect_vreg.gather [hbm4b:s16+s23], $0x80, v2, vm0, $0xb8;
	[tilespmem:$0x19000] =	vst v63  }
0x98: {  	v2 =	vld.msk [tilespmem:s7+$0x0], $0xff;
	_ =	sdelay $0x4  }
0x99: {  	v3 =	vshll.u32 v2, $0x3  }
0x9a: {  	v2 =	vand.u32 $0x7, v2;
	v3 =	vand.u32 $0xFFFFFFC0, v3  }
0x9b: {  	v2 =	vor.u32 v2, v3  }
0x9c: {  	v2 =	vperm.xlane v2, v0;
	_ =	sdelay $0x1  }
0x9d: {  	v2 =	vadd.s32 v1, v2;
	_ =	sdelay $0x3  }
0x9e: {  	s10 =	simm.s32 $0x17000  }
0x9f: {  	[tilespmem:s10], [sflag:$0x3] =	stream.indirect_vreg.gather [hbm4b:s5+s23], $0x80, v2, vm0, $0xb8;
	[tilespmem:$0x19000] =	vst v63  }
0xa0: {  	s21 =	simm.s32 $0x17800  }
0xa1: {  	[tilespmem:s21], [sflag:$0x3] =	stream.indirect_vreg.gather [hbm4b:s17+s23], $0x80, v2, vm0, $0xb8;
	[tilespmem:$0x19000] =	vst v63  }
0xa2: {  	s24 =	simm.s32 $0x18000  }
0xa3: {  	[tilespmem:s24], [sflag:$0x3] =	stream.indirect_vreg.gather [hbm4b:s18+s23], $0x80, v2, vm0, $0xb8;
	[tilespmem:$0x19000] =	vst v63  }
0xa4: {  	s25 =	simm.s32 $0x18800  }
0xa5: {  	[tilespmem:s25], [sflag:$0x3] =	stream.indirect_vreg.gather [hbm4b:s19+s23], $0x80, v2, vm0, $0xb8;
	[tilespmem:$0x19000] =	vst v63  }
0xa6: {  	_ =	swait.ge [sflag:s29], $0x2000  }
0xa7: {  	[sflag:s29] =	ssyncset.done $0x0  }
0xa8: {  	[sflag:s29] =	ssyncadd.s32 $0xFFFFE000  }
0xa9: {  	_ =	swait.ge [sflag:s29], $0x2000  }
0xaa: {  	[sflag:s29] =	ssyncset.done $0x0  }
0xab: {  	[sflag:s29] =	ssyncadd.s32 $0xFFFFE000  }
0xac: {  	_ =	swait.ge [sflag:s29], $0x2000  }
0xad: {  	[sflag:s29] =	ssyncset.done $0x0  }
0xae: {  	[sflag:s29] =	ssyncadd.s32 $0xFFFFE000  }
0xaf: {  	_ =	swait.ge [sflag:s29], $0x2000  }
0xb0: {  	s26 =	sand.u32 $0x70, s23;
	s28 =	sand.u32 $0x1C00, s23;
	[sflag:s29] =	ssyncset.done $0x0  }
0xb1: {  	s24 =	sor.u32 s26, s28;
	[sflag:s29] =	ssyncadd.s32 $0xFFFFE000  }
0xb2: {  	v2 =	vld [tilespmem:s24+$0x13180]  }
0xb3: {  	v8 =	vld [tilespmem:s24+$0x13280]  }
0xb4: {  	v14 =	vld [tilespmem:s24+$0x13200]  }
0xb5: {  	v3 =	vld [tilespmem:s24+$0x13000]  }
0xb6: {  	v9 =	vld [tilespmem:s24+$0xD280]  }
0xb7: {  	v5 =	vld [tilespmem:s24+$0xD180]  }
0xb8: {  	v11 =	vld [tilespmem:s24+$0x7280]  }
0xb9: {  	v13 =	vld [tilespmem:s24+$0x7200]  }
0xba: {  	v15 =	vld [tilespmem:s24+$0xD200]  }
0xbb: {  	v7 =	vld [tilespmem:s24+$0xD300]  }
0xbc: {  	v4 =	vld [tilespmem:s24+$0xD100]  }
0xbd: {  	v6 =	vld [tilespmem:s24+$0xD080]  }
0xbe: {  	v10 =	vld [tilespmem:s24+$0xD000]  }
0xbf: {  	v12 =	vld [tilespmem:s24+$0x7000];
	v9 =	vadd.f32 v9, v11;
	v15 =	vadd.f32 v15, v13  }
0xc0: {  	v11 =	vld [tilespmem:s24+$0x7300]  }
0xc1: {  	s7 =	simm.s32 $0x10;
	s10 =	sor.u32 s23, s23;
	v13 =	vld [tilespmem:s24+$0x7180];
	v9 =	vadd.f32 v8, v9;
	v8 =	vadd.f32 v14, v15  }
.LBB2_3:
0xc2: {  	p0 =	sne.s32 s7, $0x3F0  }
0xc3: {  	v14 =	vld [tilespmem:s24+$0x13300];
	s23 =	sadd.s32 $0x80, s23;
	s21 =	smov.u32 s7;
	s7 =	sadd.s32 $0x10, s7  }
0xc4: {  	s28 =	sor.u32 s23, s21;
	v15 =	vld [tilespmem:s24+$0x7080]  }
0xc5: {  	v10 =	vadd.f32 v10, v12;
	v12 =	vld [tilespmem:s24+$0x7100]  }
0xc6: {  	v16 =	vld [tilespmem:s24+$0x13080];
	v7 =	vadd.f32 v7, v11  }
0xc7: {  	v3 =	vadd.f32 v3, v10;
	v10 =	vld [tilespmem:s24+$0x13100];
	v5 =	vadd.f32 v5, v13  }
0xc8: {  	[tilespmem:s24+$0x1280] =	vst.add.f32.msk $0xffff, v9;
	v7 =	vadd.f32 v14, v7  }
0xc9: {  	v6 =	vadd.f32 v6, v15;
	v2 =	vadd.f32 v2, v5;
	[tilespmem:s24+$0x1200] =	vst.add.f32.msk $0xffff, v8  }
0xca: {  	[tilespmem:s24+$0x1000] =	vst.add.f32.msk $0xffff, v3;
	v3 =	vadd.f32 v4, v12  }
0xcb: {  	v4 =	vadd.f32 v16, v6;
	[tilespmem:s24+$0x1180] =	vst.add.f32.msk $0xffff, v2  }
0xcc: {  	v2 =	vadd.f32 v10, v3;
	[tilespmem:s24+$0x1300] =	vst.add.f32.msk $0xffff, v7  }
0xcd: {  	[tilespmem:s24+$0x1080] =	vst.add.f32.msk $0xffff, v4  }
0xce: {  	s26 =	sor.u32 $0x380, s10;
	s10 =	smov.u32 s28;
	[tilespmem:s24+$0x1100] =	vst.add.f32.msk $0xffff, v2  }
0xcf: {  	v2 =	vld [tilespmem:s26+$0x7000]  }
0xd0: {  	v3 =	vld [tilespmem:s26+$0xD000]  }
0xd1: {  	v4 =	vld [tilespmem:s26+$0x13000];
	_ =	sdelay $0x3  }
0xd2: {  	s21 =	sand.u32 $0x70, s21;
	s24 =	sand.u32 $0x1C00, s23;
	v2 =	vadd.f32 v3, v2  }
0xd3: {  	s24 =	sor.u32 s21, s24  }
0xd4: {  	v2 =	vadd.f32 v4, v2;
	_ =	sdelay $0x1  }
0xd5: {  	[tilespmem:s26+$0x1000] =	vst.add.f32.msk $0xffff, v2  }
0xd6: {  	v2 =	vld [tilespmem:s24+$0x13180]  }
0xd7: {  	v8 =	vld [tilespmem:s24+$0x13280]  }
0xd8: {  	v14 =	vld [tilespmem:s24+$0x13200]  }
0xd9: {  	v3 =	vld [tilespmem:s24+$0x13000]  }
0xda: {  	v9 =	vld [tilespmem:s24+$0xD280]  }
0xdb: {  	v5 =	vld [tilespmem:s24+$0xD180]  }
0xdc: {  	v10 =	vld [tilespmem:s24+$0x7280]  }
0xdd: {  	v11 =	vld [tilespmem:s24+$0x7200]  }
0xde: {  	v13 =	vld [tilespmem:s24+$0xD200]  }
0xdf: {  	v7 =	vld [tilespmem:s24+$0xD300]  }
0xe0: {  	v4 =	vld [tilespmem:s24+$0xD100]  }
.Ltmp0:
0xe1: {  	v6 =	vld [tilespmem:s24+$0xD080];
	v9 =	vadd.f32 v9, v10;
	(pc) =	sbr.rel @p0 .LBB2_3-.Ltmp0, $4  }
0xe2: {  	v10 =	vld [tilespmem:s24+$0xD000]  }
0xe3: {  	v12 =	vld [tilespmem:s24+$0x7000];
	v15 =	vadd.f32 v13, v11;
	v9 =	vadd.f32 v8, v9  }
0xe4: {  	v11 =	vld [tilespmem:s24+$0x7300]  }
0xe5: {  	v13 =	vld [tilespmem:s24+$0x7180];
	v8 =	vadd.f32 v14, v15  }
0xe6: {  	v14 =	vld [tilespmem:s24+$0x13300]  }
0xe7: {  	v15 =	vld [tilespmem:s24+$0x7080]  }
0xe8: {  	v16 =	vld [tilespmem:s24+$0x7100]  }
0xe9: {  	v10 =	vadd.f32 v10, v12;
	v12 =	vld [tilespmem:s24+$0x13080]  }
0xea: {  	v5 =	vadd.f32 v5, v13;
	v13 =	vld [tilespmem:s24+$0x13100]  }
0xeb: {  	[tilespmem:s24+$0x1280] =	vst.add.f32.msk $0xffff, v9;
	v7 =	vadd.f32 v7, v11;
	v3 =	vadd.f32 v3, v10  }
0xec: {  	[tilespmem:s24+$0x1200] =	vst.add.f32.msk $0xffff, v8;
	v6 =	vadd.f32 v6, v15;
	v2 =	vadd.f32 v2, v5  }
0xed: {  	v5 =	vadd.f32 v14, v7;
	[tilespmem:s24+$0x1000] =	vst.add.f32.msk $0xffff, v3;
	v3 =	vadd.f32 v4, v16  }
0xee: {  	v4 =	vadd.f32 v12, v6;
	[tilespmem:s24+$0x1180] =	vst.add.f32.msk $0xffff, v2  }
0xef: {  	[tilespmem:s24+$0x1300] =	vst.add.f32.msk $0xffff, v5;
	v2 =	vadd.f32 v13, v3  }
0xf0: {  	[tilespmem:s24+$0x1080] =	vst.add.f32.msk $0xffff, v4  }
0xf1: {  	s7 =	sor.u32 $0x380, s10;
	[tilespmem:s24+$0x1100] =	vst.add.f32.msk $0xffff, v2  }
0xf2: {  	v2 =	vld [tilespmem:s7+$0x7000]  }
0xf3: {  	v3 =	vld [tilespmem:s7+$0xD000];
	_ =	sdelay $0x1  }
0xf4: {  	v4 =	vld [tilespmem:s7+$0x13000];
	_ =	sdelay $0x2  }
0xf5: {  	v2 =	vadd.f32 v3, v2;
	_ =	sdelay $0x1  }
0xf6: {  	s24 =	sadd.s32 s8, s22;
	v2 =	vadd.f32 v4, v2  }
0xf7: {  	s23 =	simm.s32 $0x0;
	s10 =	sshll.u32 s24, $0x7  }
0xf8: {  	s21 =	simm.s32 $0x1000;
	s26 =	sadd.s32 $0x18, s22;
	s25 =	sadd.s32 s6, s10;
	[tilespmem:s7+$0x1000] =	vst.add.f32.msk $0xffff, v2  }
0xf9: {  	[hbm4b:s25+s23] =	stream.linear.scatter [tilespmem:s21], [sflag:$0x4], $0x2000, $0x38;
	[tilespmem:$0x19000] =	vst v63  }
0xfa: {  	s28 =	sadd.s32 s8, s26;
	_ =	swait.ge [sflag:s30], $0x2000  }
0xfb: {  	s10 =	sshll.u32 s28, $0x7;
	[sflag:s30] =	ssyncset.done $0x0  }
0xfc: {  	s24 =	sshll.u32 s26, $0x2;
	s10 =	sadd.s32 s0, s10;
	[sflag:s30] =	ssyncadd.s32 $0xFFFFE000  }
0xfd: {  	[tilespmem:s21], [sflag:$0x1] =	stream.linear.gather [hbm4b:s10+s23], $0x2000, $0x38;
	[tilespmem:$0x19000] =	vst v63  }
0xfe: {  	s7 =	sand.u32 $0x78, s26;
	s10 =	sand.u32 $0x3E00, s24  }
0xff: {  	s7 =	sor.u32 s7, s10  }
0x100: {  	v2 =	vld.msk [tilespmem:s7+$0x0], $0xff;
	_ =	sdelay $0x4  }
0x101: {  	v3 =	vshll.u32 v2, $0x3  }
0x102: {  	v2 =	vand.u32 $0x7, v2;
	v3 =	vand.u32 $0xFFFFFFC0, v3  }
0x103: {  	v2 =	vor.u32 v2, v3  }
0x104: {  	v2 =	vperm.xlane v2, v0;
	_ =	sdelay $0x1  }
0x105: {  	v2 =	vadd.s32 v1, v2;
	_ =	sdelay $0x3  }
0x106: {  	s26 =	simm.s32 $0x7000  }
0x107: {  	[tilespmem:s26], [sflag:$0x1] =	stream.indirect_vreg.gather [hbm4b:s2+s23], $0x80, v2, vm0, $0xb8;
	[tilespmem:$0x19000] =	vst v63  }
0x108: {  	s28 =	simm.s32 $0x7800  }
0x109: {  	[tilespmem:s28], [sflag:$0x1] =	stream.indirect_vreg.gather [hbm4b:s11+s23], $0x80, v2, vm0, $0xb8;
	[tilespmem:$0x19000] =	vst v63  }
0x10a: {  	s21 =	simm.s32 $0x8000  }
0x10b: {  	[tilespmem:s21], [sflag:$0x1] =	stream.indirect_vreg.gather [hbm4b:s12+s23], $0x80, v2, vm0, $0xb8;
	[tilespmem:$0x19000] =	vst v63  }
0x10c: {  	s24 =	simm.s32 $0x8800;
	s26 =	sor.u32 $0x80, s7  }
0x10d: {  	[tilespmem:s24], [sflag:$0x1] =	stream.indirect_vreg.gather [hbm4b:s13+s23], $0x80, v2, vm0, $0xb8;
	[tilespmem:$0x19000] =	vst v63  }
0x10e: {  	v2 =	vld.msk [tilespmem:s26+$0x0], $0xff;
	_ =	sdelay $0x4  }
0x10f: {  	v3 =	vshll.u32 v2, $0x3  }
0x110: {  	v2 =	vand.u32 $0x7, v2;
	v3 =	vand.u32 $0xFFFFFFC0, v3  }
0x111: {  	v2 =	vor.u32 v2, v3  }
0x112: {  	v2 =	vperm.xlane v2, v0;
	_ =	sdelay $0x1  }
0x113: {  	v2 =	vadd.s32 v1, v2;
	_ =	sdelay $0x3  }
0x114: {  	s28 =	simm.s32 $0xD000  }
0x115: {  	[tilespmem:s28], [sflag:$0x1] =	stream.indirect_vreg.gather [hbm4b:s4+s23], $0x80, v2, vm0, $0xb8;
	[tilespmem:$0x19000] =	vst v63  }
0x116: {  	s21 =	simm.s32 $0xD800  }
0x117: {  	[tilespmem:s21], [sflag:$0x1] =	stream.indirect_vreg.gather [hbm4b:s14+s23], $0x80, v2, vm0, $0xb8;
	[tilespmem:$0x19000] =	vst v63  }
0x118: {  	s24 =	simm.s32 $0xE000  }
0x119: {  	[tilespmem:s24], [sflag:$0x1] =	stream.indirect_vreg.gather [hbm4b:s15+s23], $0x80, v2, vm0, $0xb8;
	[tilespmem:$0x19000] =	vst v63  }
0x11a: {  	s7 =	sor.u32 $0x100, s7;
	s26 =	simm.s32 $0xE800  }
0x11b: {  	[tilespmem:s26], [sflag:$0x1] =	stream.indirect_vreg.gather [hbm4b:s16+s23], $0x80, v2, vm0, $0xb8;
	[tilespmem:$0x19000] =	vst v63  }
0x11c: {  	v2 =	vld.msk [tilespmem:s7+$0x0], $0xff;
	_ =	sdelay $0x4  }
0x11d: {  	v3 =	vshll.u32 v2, $0x3  }
0x11e: {  	v2 =	vand.u32 $0x7, v2;
	v3 =	vand.u32 $0xFFFFFFC0, v3  }
0x11f: {  	v2 =	vor.u32 v2, v3  }
0x120: {  	v2 =	vperm.xlane v2, v0;
	_ =	sdelay $0x1  }
0x121: {  	v2 =	vadd.s32 v1, v2;
	_ =	sdelay $0x3  }
0x122: {  	s28 =	simm.s32 $0x13000  }
0x123: {  	[tilespmem:s28], [sflag:$0x1] =	stream.indirect_vreg.gather [hbm4b:s5+s23], $0x80, v2, vm0, $0xb8;
	[tilespmem:$0x19000] =	vst v63  }
0x124: {  	s10 =	simm.s32 $0x13800  }
0x125: {  	[tilespmem:s10], [sflag:$0x1] =	stream.indirect_vreg.gather [hbm4b:s17+s23], $0x80, v2, vm0, $0xb8;
	[tilespmem:$0x19000] =	vst v63  }
0x126: {  	s21 =	simm.s32 $0x14000  }
0x127: {  	[tilespmem:s21], [sflag:$0x1] =	stream.indirect_vreg.gather [hbm4b:s18+s23], $0x80, v2, vm0, $0xb8;
	[tilespmem:$0x19000] =	vst v63  }
0x128: {  	s24 =	simm.s32 $0x14800  }
0x129: {  	[tilespmem:s24], [sflag:$0x1] =	stream.indirect_vreg.gather [hbm4b:s19+s23], $0x80, v2, vm0, $0xb8;
	[tilespmem:$0x19000] =	vst v63  }
0x12a: {  	_ =	swait.ge [sflag:s31], $0x2000  }
0x12b: {  	[sflag:s31] =	ssyncset.done $0x0  }
0x12c: {  	[sflag:s31] =	ssyncadd.s32 $0xFFFFE000  }
0x12d: {  	_ =	swait.ge [sflag:s31], $0x2000  }
0x12e: {  	[sflag:s31] =	ssyncset.done $0x0  }
0x12f: {  	[sflag:s31] =	ssyncadd.s32 $0xFFFFE000  }
0x130: {  	_ =	swait.ge [sflag:s31], $0x2000  }
0x131: {  	[sflag:s31] =	ssyncset.done $0x0  }
0x132: {  	[sflag:s31] =	ssyncadd.s32 $0xFFFFE000  }
0x133: {  	_ =	swait.ge [sflag:s31], $0x2000  }
0x134: {  	s26 =	sand.u32 $0x70, s23;
	s28 =	sand.u32 $0x1C00, s23;
	[sflag:s31] =	ssyncset.done $0x0  }
0x135: {  	s24 =	sor.u32 s26, s28;
	[sflag:s31] =	ssyncadd.s32 $0xFFFFE000  }
0x136: {  	v2 =	vld [tilespmem:s24+$0x15180]  }
0x137: {  	v8 =	vld [tilespmem:s24+$0x15280]  }
0x138: {  	v14 =	vld [tilespmem:s24+$0x15200]  }
0x139: {  	v3 =	vld [tilespmem:s24+$0x15000]  }
0x13a: {  	v9 =	vld [tilespmem:s24+$0xF280]  }
0x13b: {  	v5 =	vld [tilespmem:s24+$0xF180]  }
0x13c: {  	v11 =	vld [tilespmem:s24+$0x9280]  }
0x13d: {  	v13 =	vld [tilespmem:s24+$0x9200]  }
0x13e: {  	v15 =	vld [tilespmem:s24+$0xF200]  }
0x13f: {  	v7 =	vld [tilespmem:s24+$0xF300]  }
0x140: {  	v4 =	vld [tilespmem:s24+$0xF100]  }
0x141: {  	v6 =	vld [tilespmem:s24+$0xF080]  }
0x142: {  	v10 =	vld [tilespmem:s24+$0xF000]  }
0x143: {  	v12 =	vld [tilespmem:s24+$0x9000];
	v9 =	vadd.f32 v9, v11;
	v15 =	vadd.f32 v15, v13  }
0x144: {  	v11 =	vld [tilespmem:s24+$0x9300]  }
0x145: {  	s25 =	simm.s32 $0x1000;
	s7 =	simm.s32 $0x10;
	s10 =	sor.u32 s23, s23;
	v13 =	vld [tilespmem:s24+$0x9180];
	v9 =	vadd.f32 v8, v9;
	v8 =	vadd.f32 v14, v15  }
.LBB2_5:
0x146: {  	p0 =	sne.s32 s7, $0x3F0  }
0x147: {  	v14 =	vld [tilespmem:s24+$0x15300];
	s23 =	sadd.s32 $0x80, s23;
	s21 =	smov.u32 s7;
	s7 =	sadd.s32 $0x10, s7  }
0x148: {  	s26 =	sor.u32 s23, s21;
	v15 =	vld [tilespmem:s24+$0x9080]  }
0x149: {  	v10 =	vadd.f32 v10, v12;
	v12 =	vld [tilespmem:s24+$0x9100]  }
0x14a: {  	v16 =	vld [tilespmem:s24+$0x15080];
	v7 =	vadd.f32 v7, v11  }
0x14b: {  	v3 =	vadd.f32 v3, v10;
	v10 =	vld [tilespmem:s24+$0x15100];
	v5 =	vadd.f32 v5, v13  }
0x14c: {  	[tilespmem:s24+$0x3280] =	vst.add.f32.msk $0xffff, v9;
	v7 =	vadd.f32 v14, v7  }
0x14d: {  	v6 =	vadd.f32 v6, v15;
	v2 =	vadd.f32 v2, v5;
	[tilespmem:s24+$0x3200] =	vst.add.f32.msk $0xffff, v8  }
0x14e: {  	[tilespmem:s24+$0x3000] =	vst.add.f32.msk $0xffff, v3;
	v3 =	vadd.f32 v4, v12  }
0x14f: {  	v4 =	vadd.f32 v16, v6;
	[tilespmem:s24+$0x3180] =	vst.add.f32.msk $0xffff, v2  }
0x150: {  	v2 =	vadd.f32 v10, v3;
	[tilespmem:s24+$0x3300] =	vst.add.f32.msk $0xffff, v7  }
0x151: {  	[tilespmem:s24+$0x3080] =	vst.add.f32.msk $0xffff, v4  }
0x152: {  	s28 =	sor.u32 $0x380, s10;
	s10 =	smov.u32 s26;
	[tilespmem:s24+$0x3100] =	vst.add.f32.msk $0xffff, v2  }
0x153: {  	v2 =	vld [tilespmem:s28+$0x9000]  }
0x154: {  	v3 =	vld [tilespmem:s28+$0xF000]  }
0x155: {  	v4 =	vld [tilespmem:s28+$0x15000];
	_ =	sdelay $0x3  }
0x156: {  	s21 =	sand.u32 $0x70, s21;
	s24 =	sand.u32 $0x1C00, s23;
	v2 =	vadd.f32 v3, v2  }
0x157: {  	s24 =	sor.u32 s21, s24  }
0x158: {  	v2 =	vadd.f32 v4, v2;
	_ =	sdelay $0x1  }
0x159: {  	[tilespmem:s28+$0x3000] =	vst.add.f32.msk $0xffff, v2  }
0x15a: {  	v2 =	vld [tilespmem:s24+$0x15180]  }
0x15b: {  	v8 =	vld [tilespmem:s24+$0x15280]  }
0x15c: {  	v14 =	vld [tilespmem:s24+$0x15200]  }
0x15d: {  	v3 =	vld [tilespmem:s24+$0x15000]  }
0x15e: {  	v9 =	vld [tilespmem:s24+$0xF280]  }
0x15f: {  	v5 =	vld [tilespmem:s24+$0xF180]  }
0x160: {  	v10 =	vld [tilespmem:s24+$0x9280]  }
0x161: {  	v11 =	vld [tilespmem:s24+$0x9200]  }
0x162: {  	v13 =	vld [tilespmem:s24+$0xF200]  }
0x163: {  	v7 =	vld [tilespmem:s24+$0xF300]  }
0x164: {  	v4 =	vld [tilespmem:s24+$0xF100]  }
.Ltmp1:
0x165: {  	v6 =	vld [tilespmem:s24+$0xF080];
	v9 =	vadd.f32 v9, v10;
	(pc) =	sbr.rel @p0 .LBB2_5-.Ltmp1, $4  }
0x166: {  	v10 =	vld [tilespmem:s24+$0xF000]  }
0x167: {  	v12 =	vld [tilespmem:s24+$0x9000];
	v15 =	vadd.f32 v13, v11;
	v9 =	vadd.f32 v8, v9  }
0x168: {  	v11 =	vld [tilespmem:s24+$0x9300]  }
0x169: {  	v13 =	vld [tilespmem:s24+$0x9180];
	v8 =	vadd.f32 v14, v15  }
0x16a: {  	v14 =	vld [tilespmem:s24+$0x15300]  }
0x16b: {  	v15 =	vld [tilespmem:s24+$0x9080]  }
0x16c: {  	v16 =	vld [tilespmem:s24+$0x9100]  }
0x16d: {  	v10 =	vadd.f32 v10, v12;
	v12 =	vld [tilespmem:s24+$0x15080]  }
0x16e: {  	v5 =	vadd.f32 v5, v13;
	v13 =	vld [tilespmem:s24+$0x15100]  }
0x16f: {  	[tilespmem:s24+$0x3280] =	vst.add.f32.msk $0xffff, v9;
	v7 =	vadd.f32 v7, v11;
	v3 =	vadd.f32 v3, v10  }
0x170: {  	[tilespmem:s24+$0x3200] =	vst.add.f32.msk $0xffff, v8;
	v6 =	vadd.f32 v6, v15;
	v2 =	vadd.f32 v2, v5  }
0x171: {  	v5 =	vadd.f32 v14, v7;
	[tilespmem:s24+$0x3000] =	vst.add.f32.msk $0xffff, v3;
	v3 =	vadd.f32 v4, v16  }
0x172: {  	v4 =	vadd.f32 v12, v6;
	[tilespmem:s24+$0x3180] =	vst.add.f32.msk $0xffff, v2  }
0x173: {  	[tilespmem:s24+$0x3300] =	vst.add.f32.msk $0xffff, v5;
	v2 =	vadd.f32 v13, v3  }
0x174: {  	[tilespmem:s24+$0x3080] =	vst.add.f32.msk $0xffff, v4  }
0x175: {  	s7 =	sor.u32 $0x380, s10;
	[tilespmem:s24+$0x3100] =	vst.add.f32.msk $0xffff, v2  }
0x176: {  	v2 =	vld [tilespmem:s7+$0x9000]  }
0x177: {  	v3 =	vld [tilespmem:s7+$0xF000];
	_ =	sdelay $0x1  }
0x178: {  	v4 =	vld [tilespmem:s7+$0x15000];
	_ =	sdelay $0x2  }
0x179: {  	v2 =	vadd.f32 v3, v2  }
0x17a: {  	s23 =	rddreg [dreg:$0xa]  }
0x17b: {  	s10 =	sadd.s32 s22, s23;
	v2 =	vadd.f32 v4, v2  }
0x17c: {  	s28 =	simm.s32 $0x3000;
	s10 =	sshll.u32 s10, $0x7  }
0x17d: {  	s26 =	sadd.s32 $0x20, s22;
	s23 =	simm.s32 $0x0;
	s24 =	sadd.s32 s6, s10;
	[tilespmem:s7+$0x3000] =	vst.add.f32.msk $0xffff, v2  }
0x17e: {  	[hbm4b:s24+s23] =	stream.linear.scatter [tilespmem:s28], [sflag:$0x5], $0x2000, $0x38;
	[tilespmem:$0x19000] =	vst v63  }
0x17f: {  	s21 =	sadd.s32 s8, s26;
	_ =	swait.ge [sflag:s1], $0x2000  }
0x180: {  	s10 =	sshll.u32 s21, $0x7;
	[sflag:s1] =	ssyncset.done $0x0  }
0x181: {  	s22 =	sshll.u32 s26, $0x2;
	s10 =	sadd.s32 s0, s10;
	[sflag:s1] =	ssyncadd.s32 $0xFFFFE000  }
0x182: {  	[tilespmem:s28], [sflag:$0x2] =	stream.linear.gather [hbm4b:s10+s23], $0x2000, $0x38;
	[tilespmem:$0x19000] =	vst v63  }
0x183: {  	s7 =	sand.u32 $0x78, s26;
	s10 =	sand.u32 $0x3E00, s22  }
0x184: {  	s7 =	sor.u32 s7, s10  }
0x185: {  	v2 =	vld.msk [tilespmem:s7+$0x0], $0xff;
	_ =	sdelay $0x4  }
0x186: {  	v3 =	vshll.u32 v2, $0x3  }
0x187: {  	v2 =	vand.u32 $0x7, v2;
	v3 =	vand.u32 $0xFFFFFFC0, v3  }
0x188: {  	v2 =	vor.u32 v2, v3  }
0x189: {  	v2 =	vperm.xlane v2, v0;
	_ =	sdelay $0x1  }
0x18a: {  	v2 =	vadd.s32 v1, v2;
	_ =	sdelay $0x3  }
0x18b: {  	s24 =	simm.s32 $0x9000  }
0x18c: {  	[tilespmem:s24], [sflag:$0x2] =	stream.indirect_vreg.gather [hbm4b:s2+s23], $0x80, v2, vm0, $0xb8;
	[tilespmem:$0x19000] =	vst v63  }
0x18d: {  	s26 =	simm.s32 $0x9800  }
0x18e: {  	[tilespmem:s26], [sflag:$0x2] =	stream.indirect_vreg.gather [hbm4b:s11+s23], $0x80, v2, vm0, $0xb8;
	[tilespmem:$0x19000] =	vst v63  }
0x18f: {  	s21 =	simm.s32 $0xA000  }
0x190: {  	[tilespmem:s21], [sflag:$0x2] =	stream.indirect_vreg.gather [hbm4b:s12+s23], $0x80, v2, vm0, $0xb8;
	[tilespmem:$0x19000] =	vst v63  }
0x191: {  	s22 =	simm.s32 $0xA800;
	s24 =	sor.u32 $0x80, s7  }
0x192: {  	[tilespmem:s22], [sflag:$0x2] =	stream.indirect_vreg.gather [hbm4b:s13+s23], $0x80, v2, vm0, $0xb8;
	[tilespmem:$0x19000] =	vst v63  }
0x193: {  	v2 =	vld.msk [tilespmem:s24+$0x0], $0xff;
	_ =	sdelay $0x4  }
0x194: {  	v3 =	vshll.u32 v2, $0x3  }
0x195: {  	v2 =	vand.u32 $0x7, v2;
	v3 =	vand.u32 $0xFFFFFFC0, v3  }
0x196: {  	v2 =	vor.u32 v2, v3  }
0x197: {  	v2 =	vperm.xlane v2, v0;
	_ =	sdelay $0x1  }
0x198: {  	v2 =	vadd.s32 v1, v2;
	_ =	sdelay $0x3  }
0x199: {  	s26 =	simm.s32 $0xF000  }
0x19a: {  	[tilespmem:s26], [sflag:$0x2] =	stream.indirect_vreg.gather [hbm4b:s4+s23], $0x80, v2, vm0, $0xb8;
	[tilespmem:$0x19000] =	vst v63  }
0x19b: {  	s21 =	simm.s32 $0xF800  }
0x19c: {  	[tilespmem:s21], [sflag:$0x2] =	stream.indirect_vreg.gather [hbm4b:s14+s23], $0x80, v2, vm0, $0xb8;
	[tilespmem:$0x19000] =	vst v63  }
0x19d: {  	s22 =	simm.s32 $0x10000  }
0x19e: {  	[tilespmem:s22], [sflag:$0x2] =	stream.indirect_vreg.gather [hbm4b:s15+s23], $0x80, v2, vm0, $0xb8;
	[tilespmem:$0x19000] =	vst v63  }
0x19f: {  	s7 =	sor.u32 $0x100, s7;
	s24 =	simm.s32 $0x10800  }
0x1a0: {  	[tilespmem:s24], [sflag:$0x2] =	stream.indirect_vreg.gather [hbm4b:s16+s23], $0x80, v2, vm0, $0xb8;
	[tilespmem:$0x19000] =	vst v63  }
0x1a1: {  	v2 =	vld.msk [tilespmem:s7+$0x0], $0xff;
	_ =	sdelay $0x4  }
0x1a2: {  	v3 =	vshll.u32 v2, $0x3  }
0x1a3: {  	v2 =	vand.u32 $0x7, v2;
	v3 =	vand.u32 $0xFFFFFFC0, v3  }
0x1a4: {  	v2 =	vor.u32 v2, v3  }
0x1a5: {  	v2 =	vperm.xlane v2, v0;
	_ =	sdelay $0x1  }
0x1a6: {  	v2 =	vadd.s32 v1, v2;
	_ =	sdelay $0x3  }
0x1a7: {  	s26 =	simm.s32 $0x15000  }
0x1a8: {  	[tilespmem:s26], [sflag:$0x2] =	stream.indirect_vreg.gather [hbm4b:s5+s23], $0x80, v2, vm0, $0xb8;
	[tilespmem:$0x19000] =	vst v63  }
0x1a9: {  	s10 =	simm.s32 $0x15800  }
0x1aa: {  	[tilespmem:s10], [sflag:$0x2] =	stream.indirect_vreg.gather [hbm4b:s17+s23], $0x80, v2, vm0, $0xb8;
	[tilespmem:$0x19000] =	vst v63  }
0x1ab: {  	s21 =	simm.s32 $0x16000  }
0x1ac: {  	[tilespmem:s21], [sflag:$0x2] =	stream.indirect_vreg.gather [hbm4b:s18+s23], $0x80, v2, vm0, $0xb8;
	[tilespmem:$0x19000] =	vst v63  }
0x1ad: {  	s22 =	simm.s32 $0x16800  }
0x1ae: {  	[tilespmem:s22], [sflag:$0x2] =	stream.indirect_vreg.gather [hbm4b:s19+s23], $0x80, v2, vm0, $0xb8;
	[tilespmem:$0x19000] =	vst v63  }
0x1af: {  	_ =	swait.ge [sflag:s3], $0x2000  }
0x1b0: {  	[sflag:s3] =	ssyncset.done $0x0  }
0x1b1: {  	[sflag:s3] =	ssyncadd.s32 $0xFFFFE000  }
0x1b2: {  	_ =	swait.ge [sflag:s3], $0x2000  }
0x1b3: {  	[sflag:s3] =	ssyncset.done $0x0  }
0x1b4: {  	[sflag:s3] =	ssyncadd.s32 $0xFFFFE000  }
0x1b5: {  	_ =	swait.ge [sflag:s3], $0x2000  }
0x1b6: {  	[sflag:s3] =	ssyncset.done $0x0  }
0x1b7: {  	[sflag:s3] =	ssyncadd.s32 $0xFFFFE000  }
0x1b8: {  	_ =	swait.ge [sflag:s3], $0x2000  }
0x1b9: {  	s24 =	sand.u32 $0x70, s23;
	s26 =	sand.u32 $0x1C00, s23;
	[sflag:s3] =	ssyncset.done $0x0  }
0x1ba: {  	s22 =	sor.u32 s24, s26;
	[sflag:s3] =	ssyncadd.s32 $0xFFFFE000  }
0x1bb: {  	v2 =	vld [tilespmem:s22+$0x17180]  }
0x1bc: {  	v8 =	vld [tilespmem:s22+$0x17280]  }
0x1bd: {  	v14 =	vld [tilespmem:s22+$0x17200]  }
0x1be: {  	v3 =	vld [tilespmem:s22+$0x17000]  }
0x1bf: {  	v9 =	vld [tilespmem:s22+$0x11280]  }
0x1c0: {  	v5 =	vld [tilespmem:s22+$0x11180]  }
0x1c1: {  	v11 =	vld [tilespmem:s22+$0xB280]  }
0x1c2: {  	v13 =	vld [tilespmem:s22+$0xB200]  }
0x1c3: {  	v15 =	vld [tilespmem:s22+$0x11200]  }
0x1c4: {  	v7 =	vld [tilespmem:s22+$0x11300]  }
0x1c5: {  	v4 =	vld [tilespmem:s22+$0x11100]  }
0x1c6: {  	v6 =	vld [tilespmem:s22+$0x11080]  }
0x1c7: {  	v10 =	vld [tilespmem:s22+$0x11000]  }
0x1c8: {  	v12 =	vld [tilespmem:s22+$0xB000];
	v9 =	vadd.f32 v9, v11;
	v15 =	vadd.f32 v15, v13  }
0x1c9: {  	v11 =	vld [tilespmem:s22+$0xB300]  }
0x1ca: {  	s7 =	simm.s32 $0x10;
	s10 =	sor.u32 s23, s23;
	v13 =	vld [tilespmem:s22+$0xB180];
	v9 =	vadd.f32 v8, v9;
	v8 =	vadd.f32 v14, v15  }
.LBB2_7:
0x1cb: {  	p0 =	sne.s32 s7, $0x3F0  }
0x1cc: {  	v14 =	vld [tilespmem:s22+$0x17300];
	s23 =	sadd.s32 $0x80, s23;
	s21 =	smov.u32 s7;
	s7 =	sadd.s32 $0x10, s7  }
0x1cd: {  	s24 =	sor.u32 s23, s21;
	v15 =	vld [tilespmem:s22+$0xB080]  }
0x1ce: {  	v10 =	vadd.f32 v10, v12;
	v12 =	vld [tilespmem:s22+$0xB100]  }
0x1cf: {  	v16 =	vld [tilespmem:s22+$0x17080];
	v7 =	vadd.f32 v7, v11  }
0x1d0: {  	v3 =	vadd.f32 v3, v10;
	v10 =	vld [tilespmem:s22+$0x17100];
	v5 =	vadd.f32 v5, v13  }
0x1d1: {  	[tilespmem:s22+$0x5280] =	vst.add.f32.msk $0xffff, v9;
	v7 =	vadd.f32 v14, v7  }
0x1d2: {  	v6 =	vadd.f32 v6, v15;
	v2 =	vadd.f32 v2, v5;
	[tilespmem:s22+$0x5200] =	vst.add.f32.msk $0xffff, v8  }
0x1d3: {  	[tilespmem:s22+$0x5000] =	vst.add.f32.msk $0xffff, v3;
	v3 =	vadd.f32 v4, v12  }
0x1d4: {  	v4 =	vadd.f32 v16, v6;
	[tilespmem:s22+$0x5180] =	vst.add.f32.msk $0xffff, v2  }
0x1d5: {  	v2 =	vadd.f32 v10, v3;
	[tilespmem:s22+$0x5300] =	vst.add.f32.msk $0xffff, v7  }
0x1d6: {  	[tilespmem:s22+$0x5080] =	vst.add.f32.msk $0xffff, v4  }
0x1d7: {  	s26 =	sor.u32 $0x380, s10;
	s10 =	smov.u32 s24;
	[tilespmem:s22+$0x5100] =	vst.add.f32.msk $0xffff, v2  }
0x1d8: {  	v2 =	vld [tilespmem:s26+$0xB000]  }
0x1d9: {  	v3 =	vld [tilespmem:s26+$0x11000]  }
0x1da: {  	v4 =	vld [tilespmem:s26+$0x17000];
	_ =	sdelay $0x3  }
0x1db: {  	s21 =	sand.u32 $0x70, s21;
	s22 =	sand.u32 $0x1C00, s23;
	v2 =	vadd.f32 v3, v2  }
0x1dc: {  	s22 =	sor.u32 s21, s22  }
0x1dd: {  	v2 =	vadd.f32 v4, v2;
	_ =	sdelay $0x1  }
0x1de: {  	[tilespmem:s26+$0x5000] =	vst.add.f32.msk $0xffff, v2  }
0x1df: {  	v2 =	vld [tilespmem:s22+$0x17180]  }
0x1e0: {  	v8 =	vld [tilespmem:s22+$0x17280]  }
0x1e1: {  	v14 =	vld [tilespmem:s22+$0x17200]  }
0x1e2: {  	v3 =	vld [tilespmem:s22+$0x17000]  }
0x1e3: {  	v9 =	vld [tilespmem:s22+$0x11280]  }
0x1e4: {  	v5 =	vld [tilespmem:s22+$0x11180]  }
0x1e5: {  	v10 =	vld [tilespmem:s22+$0xB280]  }
0x1e6: {  	v11 =	vld [tilespmem:s22+$0xB200]  }
0x1e7: {  	v13 =	vld [tilespmem:s22+$0x11200]  }
0x1e8: {  	v7 =	vld [tilespmem:s22+$0x11300]  }
0x1e9: {  	v4 =	vld [tilespmem:s22+$0x11100]  }
.Ltmp2:
0x1ea: {  	v6 =	vld [tilespmem:s22+$0x11080];
	v9 =	vadd.f32 v9, v10;
	(pc) =	sbr.rel @p0 .LBB2_7-.Ltmp2, $4  }
0x1eb: {  	v10 =	vld [tilespmem:s22+$0x11000]  }
0x1ec: {  	v12 =	vld [tilespmem:s22+$0xB000];
	v15 =	vadd.f32 v13, v11;
	v9 =	vadd.f32 v8, v9  }
0x1ed: {  	v11 =	vld [tilespmem:s22+$0xB300]  }
0x1ee: {  	v13 =	vld [tilespmem:s22+$0xB180];
	v8 =	vadd.f32 v14, v15  }
0x1ef: {  	v14 =	vld [tilespmem:s22+$0x17300]  }
0x1f0: {  	v15 =	vld [tilespmem:s22+$0xB080]  }
0x1f1: {  	v16 =	vld [tilespmem:s22+$0xB100]  }
0x1f2: {  	v60 =	vld [tilespmem:s22+$0x17080];
	v10 =	vadd.f32 v10, v12  }
0x1f3: {  	v61 =	vld [tilespmem:s22+$0x17100];
	v7 =	vadd.f32 v7, v11  }
0x1f4: {  	[tilespmem:s22+$0x5280] =	vst.add.f32.msk $0xffff, v9;
	v5 =	vadd.f32 v5, v13;
	v3 =	vadd.f32 v3, v10  }
0x1f5: {  	[tilespmem:s22+$0x5200] =	vst.add.f32.msk $0xffff, v8;
	v6 =	vadd.f32 v6, v15;
	v62 =	vadd.f32 v14, v7  }
0x1f6: {  	v2 =	vadd.f32 v2, v5;
	[tilespmem:s22+$0x5000] =	vst.add.f32.msk $0xffff, v3;
	v3 =	vadd.f32 v4, v16  }
0x1f7: {  	v63 =	vadd.f32 v60, v6;
	[tilespmem:s22+$0x5300] =	vst.add.f32.msk $0xffff, v62  }
0x1f8: {  	[tilespmem:s22+$0x5180] =	vst.add.f32.msk $0xffff, v2;
	v2 =	vadd.f32 v61, v3  }
0x1f9: {  	[tilespmem:s22+$0x5080] =	vst.add.f32.msk $0xffff, v63  }
0x1fa: {  	s7 =	sor.u32 $0x380, s10;
	[tilespmem:s22+$0x5100] =	vst.add.f32.msk $0xffff, v2  }
0x1fb: {  	v2 =	vld [tilespmem:s7+$0xB000]  }
0x1fc: {  	v3 =	vld [tilespmem:s7+$0x11000];
	_ =	sdelay $0x1  }
0x1fd: {  	v4 =	vld [tilespmem:s7+$0x17000];
	_ =	sdelay $0x1  }
0x1fe: {  	s9 =	sadd.s32 $0x1, s9  }
0x1ff: {  	p0 =	sne.s32 s9, $0x2A;
	v2 =	vadd.f32 v3, v2  }
.Ltmp3:
0x200: {  	_ = 	snop;
	(pc) =	sbr.rel @p0 .LBB2_2-.Ltmp3, $3  }
0x201: {  	v2 =	vadd.f32 v4, v2;
	_ =	sdelay $0x1  }
0x202: {  	s23 =	sadd.s32 s6, s20;
	s24 =	simm.s32 $0x0;
	s26 =	simm.s32 $0x5000;
	[tilespmem:s7+$0x5000] =	vst.add.f32.msk $0xffff, v2  }
0x203: {  	[hbm4b:s23+s24] =	stream.linear.scatter [tilespmem:s26], [sflag:$0x6], $0x2000, $0x38;
	[tilespmem:$0x19000] =	vst v63  }
0x204: {  	_ =	swait.ge [sflag:s29], $0x2000  }
0x205: {  	[sflag:s29] =	ssyncset.done $0x0  }
0x206: {  	[sflag:s29] =	ssyncadd.s32 $0xFFFFE000  }
0x207: {  	_ =	swait.ge [sflag:s29], $0x2000  }
0x208: {  	[sflag:s29] =	ssyncset.done $0x0  }
0x209: {  	[sflag:s29] =	ssyncadd.s32 $0xFFFFE000  }
0x20a: {  	_ =	swait.ge [sflag:s29], $0x2000  }
0x20b: {  	[sflag:s29] =	ssyncset.done $0x0  }
0x20c: {  	[sflag:s29] =	ssyncadd.s32 $0xFFFFE000  }
0x20d: {  	s20 =	simm.s32 $0x0;
	_ =	swait.ge [sflag:s29], $0x2000  }
0x20e: {  	s7 =	sand.u32 $0x70, s20;
	s9 =	sand.u32 $0x1C00, s20;
	[sflag:s29] =	ssyncset.done $0x0  }
0x20f: {  	s9 =	sor.u32 s7, s9;
	[sflag:s29] =	ssyncadd.s32 $0xFFFFE000  }
0x210: {  	v2 =	vld [tilespmem:s9+$0x13180]  }
0x211: {  	v8 =	vld [tilespmem:s9+$0x13280]  }
0x212: {  	v14 =	vld [tilespmem:s9+$0x13200]  }
0x213: {  	v3 =	vld [tilespmem:s9+$0x13000]  }
0x214: {  	v9 =	vld [tilespmem:s9+$0xD280]  }
0x215: {  	v5 =	vld [tilespmem:s9+$0xD180]  }
0x216: {  	v11 =	vld [tilespmem:s9+$0x7280]  }
0x217: {  	v13 =	vld [tilespmem:s9+$0x7200]  }
0x218: {  	v15 =	vld [tilespmem:s9+$0xD200]  }
0x219: {  	v7 =	vld [tilespmem:s9+$0xD300]  }
0x21a: {  	v4 =	vld [tilespmem:s9+$0xD100]  }
0x21b: {  	v6 =	vld [tilespmem:s9+$0xD080]  }
0x21c: {  	v10 =	vld [tilespmem:s9+$0xD000]  }
0x21d: {  	v12 =	vld [tilespmem:s9+$0x7000];
	v9 =	vadd.f32 v9, v11;
	v15 =	vadd.f32 v15, v13  }
0x21e: {  	v11 =	vld [tilespmem:s9+$0x7300]  }
0x21f: {  	s10 =	sor.u32 s20, s20;
	s7 =	simm.s32 $0x10;
	v13 =	vld [tilespmem:s9+$0x7180];
	v9 =	vadd.f32 v8, v9;
	v8 =	vadd.f32 v14, v15  }
.LBB2_10:
0x220: {  	p0 =	sne.s32 s7, $0x3F0  }
0x221: {  	v14 =	vld [tilespmem:s9+$0x13300];
	s20 =	sadd.s32 $0x80, s20;
	s21 =	smov.u32 s7;
	s7 =	sadd.s32 $0x10, s7  }
0x222: {  	s22 =	sor.u32 s20, s21;
	v15 =	vld [tilespmem:s9+$0x7080]  }
0x223: {  	v10 =	vadd.f32 v10, v12;
	v12 =	vld [tilespmem:s9+$0x7100]  }
0x224: {  	v16 =	vld [tilespmem:s9+$0x13080];
	v7 =	vadd.f32 v7, v11  }
0x225: {  	v3 =	vadd.f32 v3, v10;
	v10 =	vld [tilespmem:s9+$0x13100];
	v5 =	vadd.f32 v5, v13  }
0x226: {  	[tilespmem:s9+$0x1280] =	vst.add.f32.msk $0xffff, v9;
	v7 =	vadd.f32 v14, v7  }
0x227: {  	v6 =	vadd.f32 v6, v15;
	v2 =	vadd.f32 v2, v5;
	[tilespmem:s9+$0x1200] =	vst.add.f32.msk $0xffff, v8  }
0x228: {  	[tilespmem:s9+$0x1000] =	vst.add.f32.msk $0xffff, v3;
	v3 =	vadd.f32 v4, v12  }
0x229: {  	v4 =	vadd.f32 v16, v6;
	[tilespmem:s9+$0x1180] =	vst.add.f32.msk $0xffff, v2  }
0x22a: {  	v2 =	vadd.f32 v10, v3;
	[tilespmem:s9+$0x1300] =	vst.add.f32.msk $0xffff, v7  }
0x22b: {  	[tilespmem:s9+$0x1080] =	vst.add.f32.msk $0xffff, v4  }
0x22c: {  	s23 =	sor.u32 $0x380, s10;
	s10 =	smov.u32 s22;
	[tilespmem:s9+$0x1100] =	vst.add.f32.msk $0xffff, v2  }
0x22d: {  	v2 =	vld [tilespmem:s23+$0x7000]  }
0x22e: {  	v3 =	vld [tilespmem:s23+$0xD000]  }
0x22f: {  	v4 =	vld [tilespmem:s23+$0x13000];
	_ =	sdelay $0x3  }
0x230: {  	s9 =	sand.u32 $0x70, s21;
	s21 =	sand.u32 $0x1C00, s20;
	v2 =	vadd.f32 v3, v2  }
0x231: {  	s9 =	sor.u32 s9, s21  }
0x232: {  	v2 =	vadd.f32 v4, v2;
	_ =	sdelay $0x1  }
0x233: {  	[tilespmem:s23+$0x1000] =	vst.add.f32.msk $0xffff, v2  }
0x234: {  	v2 =	vld [tilespmem:s9+$0x13180]  }
0x235: {  	v8 =	vld [tilespmem:s9+$0x13280]  }
0x236: {  	v14 =	vld [tilespmem:s9+$0x13200]  }
0x237: {  	v3 =	vld [tilespmem:s9+$0x13000]  }
0x238: {  	v9 =	vld [tilespmem:s9+$0xD280]  }
0x239: {  	v5 =	vld [tilespmem:s9+$0xD180]  }
0x23a: {  	v10 =	vld [tilespmem:s9+$0x7280]  }
0x23b: {  	v11 =	vld [tilespmem:s9+$0x7200]  }
0x23c: {  	v13 =	vld [tilespmem:s9+$0xD200]  }
0x23d: {  	v7 =	vld [tilespmem:s9+$0xD300]  }
0x23e: {  	v4 =	vld [tilespmem:s9+$0xD100]  }
.Ltmp4:
0x23f: {  	v6 =	vld [tilespmem:s9+$0xD080];
	v9 =	vadd.f32 v9, v10;
	(pc) =	sbr.rel @p0 .LBB2_10-.Ltmp4, $4  }
0x240: {  	v10 =	vld [tilespmem:s9+$0xD000]  }
0x241: {  	v12 =	vld [tilespmem:s9+$0x7000];
	v15 =	vadd.f32 v13, v11;
	v9 =	vadd.f32 v8, v9  }
0x242: {  	v11 =	vld [tilespmem:s9+$0x7300]  }
0x243: {  	v13 =	vld [tilespmem:s9+$0x7180];
	v8 =	vadd.f32 v14, v15  }
0x244: {  	v14 =	vld [tilespmem:s9+$0x13300]  }
0x245: {  	v15 =	vld [tilespmem:s9+$0x7080]  }
0x246: {  	v16 =	vld [tilespmem:s9+$0x7100]  }
0x247: {  	v10 =	vadd.f32 v10, v12;
	v12 =	vld [tilespmem:s9+$0x13080]  }
0x248: {  	v5 =	vadd.f32 v5, v13;
	v13 =	vld [tilespmem:s9+$0x13100]  }
0x249: {  	[tilespmem:s9+$0x1280] =	vst.add.f32.msk $0xffff, v9;
	v7 =	vadd.f32 v7, v11;
	v3 =	vadd.f32 v3, v10  }
0x24a: {  	[tilespmem:s9+$0x1200] =	vst.add.f32.msk $0xffff, v8;
	v6 =	vadd.f32 v6, v15;
	v2 =	vadd.f32 v2, v5  }
0x24b: {  	v5 =	vadd.f32 v14, v7;
	[tilespmem:s9+$0x1000] =	vst.add.f32.msk $0xffff, v3;
	v3 =	vadd.f32 v4, v16  }
0x24c: {  	v4 =	vadd.f32 v12, v6;
	[tilespmem:s9+$0x1180] =	vst.add.f32.msk $0xffff, v2  }
0x24d: {  	[tilespmem:s9+$0x1300] =	vst.add.f32.msk $0xffff, v5;
	v2 =	vadd.f32 v13, v3  }
0x24e: {  	[tilespmem:s9+$0x1080] =	vst.add.f32.msk $0xffff, v4  }
0x24f: {  	s7 =	sor.u32 $0x380, s10;
	[tilespmem:s9+$0x1100] =	vst.add.f32.msk $0xffff, v2  }
0x250: {  	v2 =	vld [tilespmem:s7+$0x7000]  }
0x251: {  	v3 =	vld [tilespmem:s7+$0xD000];
	_ =	sdelay $0x1  }
0x252: {  	v4 =	vld [tilespmem:s7+$0x13000];
	_ =	sdelay $0x2  }
0x253: {  	v2 =	vadd.f32 v3, v2;
	_ =	sdelay $0x1  }
0x254: {  	v2 =	vadd.f32 v4, v2;
	_ =	sdelay $0x1  }
0x255: {  	s21 =	rddreg [dreg:$0xb];
	s9 =	simm.s32 $0x0;
	[tilespmem:s7+$0x1000] =	vst.add.f32.msk $0xffff, v2  }
0x256: {  	[hbm4b:s21+s9] =	stream.linear.scatter [tilespmem:s25], [sflag:$0x4], $0x2000, $0x38;
	[tilespmem:$0x19000] =	vst v63  }
0x257: {  	_ =	swait.ge [sflag:s31], $0x2000  }
0x258: {  	[sflag:s31] =	ssyncset.done $0x0  }
0x259: {  	[sflag:s31] =	ssyncadd.s32 $0xFFFFE000  }
0x25a: {  	_ =	swait.ge [sflag:s31], $0x2000  }
0x25b: {  	[sflag:s31] =	ssyncset.done $0x0  }
0x25c: {  	[sflag:s31] =	ssyncadd.s32 $0xFFFFE000  }
0x25d: {  	_ =	swait.ge [sflag:s31], $0x2000  }
0x25e: {  	[sflag:s31] =	ssyncset.done $0x0  }
0x25f: {  	[sflag:s31] =	ssyncadd.s32 $0xFFFFE000  }
0x260: {  	_ =	swait.ge [sflag:s31], $0x2000  }
0x261: {  	s22 =	sand.u32 $0x70, s9;
	s23 =	sand.u32 $0x1C00, s9;
	[sflag:s31] =	ssyncset.done $0x0  }
0x262: {  	s20 =	sor.u32 s22, s23;
	[sflag:s31] =	ssyncadd.s32 $0xFFFFE000  }
0x263: {  	v2 =	vld [tilespmem:s20+$0x15180]  }
0x264: {  	v8 =	vld [tilespmem:s20+$0x15280]  }
0x265: {  	v14 =	vld [tilespmem:s20+$0x15200]  }
0x266: {  	v3 =	vld [tilespmem:s20+$0x15000]  }
0x267: {  	v9 =	vld [tilespmem:s20+$0xF280]  }
0x268: {  	v5 =	vld [tilespmem:s20+$0xF180]  }
0x269: {  	v11 =	vld [tilespmem:s20+$0x9280]  }
0x26a: {  	v13 =	vld [tilespmem:s20+$0x9200]  }
0x26b: {  	v15 =	vld [tilespmem:s20+$0xF200]  }
0x26c: {  	v7 =	vld [tilespmem:s20+$0xF300]  }
0x26d: {  	v4 =	vld [tilespmem:s20+$0xF100]  }
0x26e: {  	v6 =	vld [tilespmem:s20+$0xF080]  }
0x26f: {  	v10 =	vld [tilespmem:s20+$0xF000]  }
0x270: {  	v12 =	vld [tilespmem:s20+$0x9000];
	v9 =	vadd.f32 v9, v11;
	v15 =	vadd.f32 v15, v13  }
0x271: {  	v11 =	vld [tilespmem:s20+$0x9300]  }
0x272: {  	s10 =	sor.u32 s9, s9;
	s7 =	simm.s32 $0x10;
	v13 =	vld [tilespmem:s20+$0x9180];
	v9 =	vadd.f32 v8, v9;
	v8 =	vadd.f32 v14, v15  }
.LBB2_12:
0x273: {  	p0 =	sne.s32 s7, $0x3F0  }
0x274: {  	v14 =	vld [tilespmem:s20+$0x15300];
	s9 =	sadd.s32 $0x80, s9;
	s21 =	smov.u32 s7;
	s7 =	sadd.s32 $0x10, s7  }
0x275: {  	s22 =	sor.u32 s9, s21;
	v15 =	vld [tilespmem:s20+$0x9080]  }
0x276: {  	v10 =	vadd.f32 v10, v12;
	v12 =	vld [tilespmem:s20+$0x9100]  }
0x277: {  	v16 =	vld [tilespmem:s20+$0x15080];
	v7 =	vadd.f32 v7, v11  }
0x278: {  	v3 =	vadd.f32 v3, v10;
	v10 =	vld [tilespmem:s20+$0x15100];
	v5 =	vadd.f32 v5, v13  }
0x279: {  	[tilespmem:s20+$0x3280] =	vst.add.f32.msk $0xffff, v9;
	v7 =	vadd.f32 v14, v7  }
0x27a: {  	v6 =	vadd.f32 v6, v15;
	v2 =	vadd.f32 v2, v5;
	[tilespmem:s20+$0x3200] =	vst.add.f32.msk $0xffff, v8  }
0x27b: {  	[tilespmem:s20+$0x3000] =	vst.add.f32.msk $0xffff, v3;
	v3 =	vadd.f32 v4, v12  }
0x27c: {  	v4 =	vadd.f32 v16, v6;
	[tilespmem:s20+$0x3180] =	vst.add.f32.msk $0xffff, v2  }
0x27d: {  	v2 =	vadd.f32 v10, v3;
	[tilespmem:s20+$0x3300] =	vst.add.f32.msk $0xffff, v7  }
0x27e: {  	[tilespmem:s20+$0x3080] =	vst.add.f32.msk $0xffff, v4  }
0x27f: {  	s23 =	sor.u32 $0x380, s10;
	s10 =	smov.u32 s22;
	[tilespmem:s20+$0x3100] =	vst.add.f32.msk $0xffff, v2  }
0x280: {  	v2 =	vld [tilespmem:s23+$0x9000]  }
0x281: {  	v3 =	vld [tilespmem:s23+$0xF000]  }
0x282: {  	v4 =	vld [tilespmem:s23+$0x15000];
	_ =	sdelay $0x3  }
0x283: {  	s20 =	sand.u32 $0x70, s21;
	s21 =	sand.u32 $0x1C00, s9;
	v2 =	vadd.f32 v3, v2  }
0x284: {  	s20 =	sor.u32 s20, s21  }
0x285: {  	v2 =	vadd.f32 v4, v2;
	_ =	sdelay $0x1  }
0x286: {  	[tilespmem:s23+$0x3000] =	vst.add.f32.msk $0xffff, v2  }
0x287: {  	v2 =	vld [tilespmem:s20+$0x15180]  }
0x288: {  	v8 =	vld [tilespmem:s20+$0x15280]  }
0x289: {  	v14 =	vld [tilespmem:s20+$0x15200]  }
0x28a: {  	v3 =	vld [tilespmem:s20+$0x15000]  }
0x28b: {  	v9 =	vld [tilespmem:s20+$0xF280]  }
0x28c: {  	v5 =	vld [tilespmem:s20+$0xF180]  }
0x28d: {  	v10 =	vld [tilespmem:s20+$0x9280]  }
0x28e: {  	v11 =	vld [tilespmem:s20+$0x9200]  }
0x28f: {  	v13 =	vld [tilespmem:s20+$0xF200]  }
0x290: {  	v7 =	vld [tilespmem:s20+$0xF300]  }
0x291: {  	v4 =	vld [tilespmem:s20+$0xF100]  }
.Ltmp5:
0x292: {  	v6 =	vld [tilespmem:s20+$0xF080];
	v9 =	vadd.f32 v9, v10;
	(pc) =	sbr.rel @p0 .LBB2_12-.Ltmp5, $4  }
0x293: {  	v10 =	vld [tilespmem:s20+$0xF000]  }
0x294: {  	v12 =	vld [tilespmem:s20+$0x9000];
	v15 =	vadd.f32 v13, v11;
	v9 =	vadd.f32 v8, v9  }
0x295: {  	v11 =	vld [tilespmem:s20+$0x9300]  }
0x296: {  	v13 =	vld [tilespmem:s20+$0x9180];
	v8 =	vadd.f32 v14, v15  }
0x297: {  	v14 =	vld [tilespmem:s20+$0x15300]  }
0x298: {  	v15 =	vld [tilespmem:s20+$0x9080]  }
0x299: {  	v16 =	vld [tilespmem:s20+$0x9100]  }
0x29a: {  	v60 =	vld [tilespmem:s20+$0x15080];
	v10 =	vadd.f32 v10, v12  }
0x29b: {  	v61 =	vld [tilespmem:s20+$0x15100];
	v7 =	vadd.f32 v7, v11  }
0x29c: {  	[tilespmem:s20+$0x3280] =	vst.add.f32.msk $0xffff, v9;
	v5 =	vadd.f32 v5, v13;
	v3 =	vadd.f32 v3, v10  }
0x29d: {  	[tilespmem:s20+$0x3200] =	vst.add.f32.msk $0xffff, v8;
	v6 =	vadd.f32 v6, v15;
	v62 =	vadd.f32 v14, v7  }
0x29e: {  	v2 =	vadd.f32 v2, v5;
	[tilespmem:s20+$0x3000] =	vst.add.f32.msk $0xffff, v3;
	v3 =	vadd.f32 v4, v16  }
0x29f: {  	v63 =	vadd.f32 v60, v6;
	[tilespmem:s20+$0x3300] =	vst.add.f32.msk $0xffff, v62  }
0x2a0: {  	[tilespmem:s20+$0x3180] =	vst.add.f32.msk $0xffff, v2;
	v2 =	vadd.f32 v61, v3  }
0x2a1: {  	[tilespmem:s20+$0x3080] =	vst.add.f32.msk $0xffff, v63  }
0x2a2: {  	s7 =	sor.u32 $0x380, s10;
	[tilespmem:s20+$0x3100] =	vst.add.f32.msk $0xffff, v2  }
0x2a3: {  	v2 =	vld [tilespmem:s7+$0x9000]  }
0x2a4: {  	v3 =	vld [tilespmem:s7+$0xF000];
	_ =	sdelay $0x1  }
0x2a5: {  	v4 =	vld [tilespmem:s7+$0x15000];
	_ =	sdelay $0x2  }
0x2a6: {  	v2 =	vadd.f32 v3, v2;
	_ =	sdelay $0x1  }
0x2a7: {  	v2 =	vadd.f32 v4, v2;
	_ =	sdelay $0x1  }
0x2a8: {  	s21 =	rddreg [dreg:$0xc];
	s22 =	simm.s32 $0x6;
	[tilespmem:s7+$0x3000] =	vst.add.f32.msk $0xffff, v2  }
0x2a9: {  	[hbm4b:s21+s24] =	stream.linear.scatter [tilespmem:s28], [sflag:$0x5], $0x2000, $0x38;
	[tilespmem:$0x19000] =	vst v63  }
0x2aa: {  	_ =	swait.ge [sflag:s22], $0x2000  }
0x2ab: {  	[sflag:s22] =	ssyncset.done $0x0  }
0x2ac: {  	[sflag:s22] =	ssyncadd.s32 $0xFFFFE000  }
0x2ad: {  	_ =	swait.ge [sflag:s30], $0x2000  }
0x2ae: {  	[sflag:s30] =	ssyncset.done $0x0  }
0x2af: {  	[sflag:s30] =	ssyncadd.s32 $0xFFFFE000  }
0x2b0: {  	_ =	swait.ge [sflag:s1], $0x2000  }
0x2b1: {  	s9 =	rddreg [dreg:$0xe]  }
0x2b2: {  	s23 =	rddreg [dreg:$0xd];
	s9 =	sadd.s32 $0x1, s9  }
0x2b3: {  	p0 =	sne.s32 s9, s23  }
.Ltmp6:
0x2b4: {  	_ = 	snop;
	(pc) =	sbr.rel @p0 .LBB2_1-.Ltmp6, $3  }
0x2b5: {  	_ =	sdelay $0x1  }
0x2b6: {  	[sflag:s1] =	ssyncset.done $0x0  }
0x2b7: {  	[sflag:s1] =	ssyncadd.s32 $0xFFFFE000  }
0x2b8: {  	_ =	sfence.sel $0x180000  }
0x2b9: {  	[bflag:$0x0] =	sbarrier.arrive $0xFFFF  }
0x2ba: {  	_ =	strace $0x90000047  }
0x2bb: {  	s0 =	stileid.u32;
	[bflag:$0x2] =	sbarrier.arrive $0xFFFF  }
0x2bc: {  	p0 =	sne.s32 s0, $0x0;
	s0 =	rddreg [dreg:$0x6]  }
0x2bd: {  	s0 =	sadd.s32 @!p0 $0x100000, s0  }
0x2be: {  	[sflag:s0] =	ssyncadd.tile.s32 @!p0 $0x1;
	_ =	shalt  }
.Lfunc_end2:
_tile_overlayer_lowered:
.L_overlay_start_2:
0x2bf: {  	(tag) =	ssettag $0x2  }
0x2c0: {  	s0 =	rddreg [dreg:$0x0];
	s2 =	stileid.u32  }
0x2c1: {  	s1 =	rddreg [dreg:$0x1];
	p0 =	sne.s32 s2, $0x0  }
0x2c2: {  	s3 =	rddreg [dreg:$0x2];
	[bflag:$0x3] =	sbarrier.arrive $0xFFFF;
	s2 =	simm.s32 @!p0 $0x1C07  }
0x2c3: {  	[timem:s3], [sflag:s2] =	dma.local @!p0 [hbm:s0], s1  }
0x2c4: {  	s0 =	simm.s32 @!p0 $0x7  }
0x2c5: {  	_ =	swait.ge @!p0 [sflag:s0], s1  }
0x2c6: {  	s1 =	ssub.s32 @!p0 $0x0, s1;
	[sflag:s0] =	ssyncset.done @!p0 $0x0  }
0x2c7: {  	[sflag:s0] =	ssyncadd.s32 @!p0 s1  }
0x2c8: {  	[bflag:$0x3] =	sbarrier.arrive $0xFFFF  }
0x2c9: {  	_ =	shalt  }

</sc_bundles>
